<compile_context>
chip_gen: v7x
topology: tpu7x:2x2x1
jax: 0.10.2.dev20260603
libtpu: 0.0.44.dev20260713+nightly
codegen_flags: <defaults>
</compile_context>

<pallas_src>
import jax
import jax.numpy as jnp
from jax import lax
from jax.experimental import pallas as pl
from jax.experimental.pallas import tpu as pltpu
from jax.experimental.pallas import tpu_sc as plsc

NUM_COLS = 2048
NUM_ROWS = 16384
NC = 2
NS = 16
L = 16
NW = NC * NS
ROWS_PER_W = NUM_ROWS // NW
R = 4
NBLK = ROWS_PER_W // R
CHUNKS = NUM_COLS // L
JU = 8
NDB = 4


def _body(in_hbm, perm_hbm, out_hbm, perm_v, *rest):
    in_bufs = rest[0:NDB]
    out_bufs = rest[NDB:2 * NDB]
    sem_in = rest[2 * NDB:3 * NDB]
    sem_out = rest[3 * NDB:4 * NDB]

    wid = lax.axis_index("c") * NS + lax.axis_index("s")
    pltpu.sync_copy(perm_hbm, perm_v)

    def in_desc(b, p):
        return pltpu.make_async_copy(
            in_hbm.at[pl.ds((wid + NW * b) * R, R), :], in_bufs[p], sem_in[p])

    def out_desc(b, p):
        return pltpu.make_async_copy(
            out_bufs[p], out_hbm.at[pl.ds((wid + NW * b) * R, R), :], sem_out[p])

    for p in range(NDB):
        in_desc(p, p).start()

    def ring(i, carry):
        for p in range(NDB):
            b = NDB * i + p
            in_desc(b, p).wait()

            @pl.when(i >= 1)
            def _():
                out_desc(b - NDB, p).wait()

            in_v = in_bufs[p]
            out_v = out_bufs[p]

            @plsc.parallel_loop(0, CHUNKS, unroll=JU)
            def _(j):
                j0 = j * L
                idx = perm_v[pl.ds(j0, L)]
                zeros = idx - idx
                for r in range(R):
                    vals = plsc.load_gather(in_v, [zeros + r, idx])
                    out_v[r, pl.ds(j0, L)] = vals

            out_desc(b, p).start()

            @pl.when(i < NBLK // NDB - 1)
            def _():
                in_desc(b + NDB, p).start()
        return carry

    lax.fori_loop(0, NBLK // NDB, ring, 0)
    for p in range(NDB):
        out_desc(NBLK - NDB + p, p).wait()


@jax.jit
def _shuffle(inputs, perm_i32):
    mesh = plsc.VectorSubcoreMesh(core_axis_name="c", subcore_axis_name="s")
    return pl.kernel(
        _body,
        out_type=jax.ShapeDtypeStruct((NUM_ROWS, NUM_COLS), jnp.float32),
        mesh=mesh,
        compiler_params=pltpu.CompilerParams(needs_layout_passes=False),
        scratch_types=[
            pltpu.VMEM((NUM_COLS,), jnp.int32),
            *[pltpu.VMEM((R, NUM_COLS), jnp.float32) for _ in range(2 * NDB)],
            *[pltpu.SemaphoreType.DMA for _ in range(2 * NDB)],
        ],
    )(inputs, perm_i32)


def kernel(inputs, perm):
    out = _shuffle(inputs, perm.astype(jnp.int32))
    logdet = jnp.zeros((inputs.shape[0], 1), dtype=inputs.dtype)
    return (out, logdet)

# --- scband reference (transcript-rebuilt; emitter-appended) ---
"""Pipeline reference for scband-shuffle-11055245820198 (READ-ONLY COPY).

The authoritative reference and input builder live on the scoring server;
editing this copy changes nothing except your own understanding.
"""

import jax, jax.numpy as jnp
import numpy as np

NUM_INPUTS = 2048
BATCH = 16384


def setup_inputs(seed: int = 0) -> dict:
    key = jax.random.key(seed)
    k_in, k_perm = jax.random.split(key)
    inputs = jax.random.normal(k_in, (BATCH, NUM_INPUTS), dtype=jnp.float32)
    # fixed random permutation created at module init (buffer, not learned)
    perm = jax.random.permutation(k_perm, NUM_INPUTS).astype(jnp.int64)
    return {"inputs": inputs, "perm": perm}


def reference(inputs, perm):
    # mode == 'direct': gather columns according to perm
    bsz = inputs.shape[0]
    out = jnp.take(inputs, perm, axis=1)
    logdet = jnp.zeros((bsz, 1), dtype=inputs.dtype)
    return (out, logdet)

if __name__ == "__main__":
    import jax
    _d = setup_inputs()
    print(jax.jit(kernel)(*tuple(_d.values())))

</pallas_src>

<mosaic_0001>
#map = affine_map<(d0, d1) -> (0, 0)>
#map1 = affine_map<(d0, d1) -> (0)>
module attributes {stable_mosaic.version = 14 : i64} {
  func.func @_body(%arg0: i32, %arg1: i32, %arg2: memref<16384x2048xf32, #tpu.memory_space<hbm>>, %arg3: memref<2048xi32, #tpu.memory_space<hbm>>, %arg4: memref<16384x2048xf32, #tpu.memory_space<hbm>>, %arg5: memref<2048xi32, #tpu.memory_space<vmem>>, %arg6: memref<4x2048xf32, #tpu.memory_space<vmem>>, %arg7: memref<4x2048xf32, #tpu.memory_space<vmem>>, %arg8: memref<4x2048xf32, #tpu.memory_space<vmem>>, %arg9: memref<4x2048xf32, #tpu.memory_space<vmem>>, %arg10: memref<4x2048xf32, #tpu.memory_space<vmem>>, %arg11: memref<4x2048xf32, #tpu.memory_space<vmem>>, %arg12: memref<4x2048xf32, #tpu.memory_space<vmem>>, %arg13: memref<4x2048xf32, #tpu.memory_space<vmem>>, %arg14: memref<!tpu.dma_semaphore, #tpu.memory_space<semaphore_mem>>, %arg15: memref<!tpu.dma_semaphore, #tpu.memory_space<semaphore_mem>>, %arg16: memref<!tpu.dma_semaphore, #tpu.memory_space<semaphore_mem>>, %arg17: memref<!tpu.dma_semaphore, #tpu.memory_space<semaphore_mem>>, %arg18: memref<!tpu.dma_semaphore, #tpu.memory_space<semaphore_mem>>, %arg19: memref<!tpu.dma_semaphore, #tpu.memory_space<semaphore_mem>>, %arg20: memref<!tpu.dma_semaphore, #tpu.memory_space<semaphore_mem>>, %arg21: memref<!tpu.dma_semaphore, #tpu.memory_space<semaphore_mem>>) attributes {dimension_semantics = [#tpu.dimension_semantics<core_parallel>, #tpu.dimension_semantics<subcore_parallel>], iteration_bounds = array<i64: 2, 16>, scalar_prefetch = 0 : i64, scratch_operands = 17 : i64, tpu.core_type = #tpu.core_type<sc_vector_subcore>, window_params = [{transform_indices = #map}, {transform_indices = #map1}, {transform_indices = #map}]} {
    %mul3A = arith.constant 16 : i32
    %mul3A_0 = arith.muli %arg0, %mul3A : i32
    %add3A = arith.addi %mul3A_0, %arg1 : i32
    "tpu.region"() ({
      %run_scoped3A = tpu.sem_alloc : memref<!tpu.dma_semaphore, #tpu.memory_space<semaphore_mem>>
      tpu.enqueue_dma source(%arg3 : memref<2048xi32, #tpu.memory_space<hbm>>) target(%arg5 : memref<2048xi32, #tpu.memory_space<vmem>>) target_semaphore(%run_scoped3A : memref<!tpu.dma_semaphore, #tpu.memory_space<semaphore_mem>>)
      tpu.wait_dma2 semaphore(%run_scoped3A : memref<!tpu.dma_semaphore, #tpu.memory_space<semaphore_mem>>) src(%arg3 : memref<2048xi32, #tpu.memory_space<hbm>>) dst(%arg5 : memref<2048xi32, #tpu.memory_space<vmem>>)
      tpu.yield
    }) : () -> ()
    %add3A_1 = arith.constant 0 : i32
    %add3A_2 = arith.addi %add3A, %add3A_1 : i32
    %mul3A_3 = arith.constant 4 : i32
    %mul3A_4 = arith.muli %add3A_2, %mul3A_3 : i32
    %dma_start3A = arith.constant 0 : i32
    %dma_start3A_5 = tpu.memref_slice %arg2[%mul3A_4, %dma_start3A] : memref<16384x2048xf32, #tpu.memory_space<hbm>> -> memref<4x2048xf32, #tpu.memory_space<hbm>>
    %dma_start3A_6 = arith.constant 0 : i32
    %dma_start3A_7 = tpu.memref_slice %arg2[%mul3A_4, %dma_start3A_6] : memref<16384x2048xf32, #tpu.memory_space<hbm>> -> memref<4x2048xf32, #tpu.memory_space<hbm>>
    tpu.enqueue_dma source(%dma_start3A_7 : memref<4x2048xf32, #tpu.memory_space<hbm>>) target(%arg6 : memref<4x2048xf32, #tpu.memory_space<vmem>>) target_semaphore(%arg14 : memref<!tpu.dma_semaphore, #tpu.memory_space<semaphore_mem>>)
    %add3A_8 = arith.constant 32 : i32
    %add3A_9 = arith.addi %add3A, %add3A_8 : i32
    %mul3A_10 = arith.constant 4 : i32
    %mul3A_11 = arith.muli %add3A_9, %mul3A_10 : i32
    %dma_start3A_12 = arith.constant 0 : i32
    %dma_start3A_13 = tpu.memref_slice %arg2[%mul3A_11, %dma_start3A_12] : memref<16384x2048xf32, #tpu.memory_space<hbm>> -> memref<4x2048xf32, #tpu.memory_space<hbm>>
    %dma_start3A_14 = arith.constant 0 : i32
    %dma_start3A_15 = tpu.memref_slice %arg2[%mul3A_11, %dma_start3A_14] : memref<16384x2048xf32, #tpu.memory_space<hbm>> -> memref<4x2048xf32, #tpu.memory_space<hbm>>
    tpu.enqueue_dma source(%dma_start3A_15 : memref<4x2048xf32, #tpu.memory_space<hbm>>) target(%arg7 : memref<4x2048xf32, #tpu.memory_space<vmem>>) target_semaphore(%arg15 : memref<!tpu.dma_semaphore, #tpu.memory_space<semaphore_mem>>)
    %add3A_16 = arith.constant 64 : i32
    %add3A_17 = arith.addi %add3A, %add3A_16 : i32
    %mul3A_18 = arith.constant 4 : i32
    %mul3A_19 = arith.muli %add3A_17, %mul3A_18 : i32
    %dma_start3A_20 = arith.constant 0 : i32
    %dma_start3A_21 = tpu.memref_slice %arg2[%mul3A_19, %dma_start3A_20] : memref<16384x2048xf32, #tpu.memory_space<hbm>> -> memref<4x2048xf32, #tpu.memory_space<hbm>>
    %dma_start3A_22 = arith.constant 0 : i32
    %dma_start3A_23 = tpu.memref_slice %arg2[%mul3A_19, %dma_start3A_22] : memref<16384x2048xf32, #tpu.memory_space<hbm>> -> memref<4x2048xf32, #tpu.memory_space<hbm>>
    tpu.enqueue_dma source(%dma_start3A_23 : memref<4x2048xf32, #tpu.memory_space<hbm>>) target(%arg8 : memref<4x2048xf32, #tpu.memory_space<vmem>>) target_semaphore(%arg16 : memref<!tpu.dma_semaphore, #tpu.memory_space<semaphore_mem>>)
    %add3A_24 = arith.constant 96 : i32
    %add3A_25 = arith.addi %add3A, %add3A_24 : i32
    %mul3A_26 = arith.constant 4 : i32
    %mul3A_27 = arith.muli %add3A_25, %mul3A_26 : i32
    %dma_start3A_28 = arith.constant 0 : i32
    %dma_start3A_29 = tpu.memref_slice %arg2[%mul3A_27, %dma_start3A_28] : memref<16384x2048xf32, #tpu.memory_space<hbm>> -> memref<4x2048xf32, #tpu.memory_space<hbm>>
    %dma_start3A_30 = arith.constant 0 : i32
    %dma_start3A_31 = tpu.memref_slice %arg2[%mul3A_27, %dma_start3A_30] : memref<16384x2048xf32, #tpu.memory_space<hbm>> -> memref<4x2048xf32, #tpu.memory_space<hbm>>
    tpu.enqueue_dma source(%dma_start3A_31 : memref<4x2048xf32, #tpu.memory_space<hbm>>) target(%arg9 : memref<4x2048xf32, #tpu.memory_space<vmem>>) target_semaphore(%arg17 : memref<!tpu.dma_semaphore, #tpu.memory_space<semaphore_mem>>)
    %scan3A = arith.constant 0 : i32
    %scan3A_32 = arith.constant 0 : i32
    %scan3A_33 = arith.constant 32 : i32
    %scan3A_34 = arith.addi %scan3A_32, %scan3A_33 : i32
    %scan3A_35 = arith.constant 1 : i32
    scf.for %scan3A_68 = %scan3A_32 to %scan3A_34 step %scan3A_35  : i32 {
      %mul3A_69 = arith.constant 4 : i32
      %mul3A_70 = arith.muli %mul3A_69, %scan3A_68 : i32
      %add3A_71 = arith.constant 0 : i32
      %add3A_72 = arith.addi %mul3A_70, %add3A_71 : i32
      %mul3A_73 = arith.constant 32 : i32
      %mul3A_74 = arith.muli %mul3A_73, %add3A_72 : i32
      %add3A_75 = arith.addi %add3A, %mul3A_74 : i32
      %mul3A_76 = arith.constant 4 : i32
      %mul3A_77 = arith.muli %add3A_75, %mul3A_76 : i32
      %dma_wait3A_78 = arith.constant 0 : i32
      %dma_wait3A_79 = tpu.memref_slice %arg2[%mul3A_77, %dma_wait3A_78] : memref<16384x2048xf32, #tpu.memory_space<hbm>> -> memref<4x2048xf32, #tpu.memory_space<hbm>>
      %dma_wait3A_80 = arith.constant 0 : i32
      %dma_wait3A_81 = tpu.memref_slice %arg2[%mul3A_77, %dma_wait3A_80] : memref<16384x2048xf32, #tpu.memory_space<hbm>> -> memref<4x2048xf32, #tpu.memory_space<hbm>>
      tpu.wait_dma2 semaphore(%arg14 : memref<!tpu.dma_semaphore, #tpu.memory_space<semaphore_mem>>) src(%dma_wait3A_81 : memref<4x2048xf32, #tpu.memory_space<hbm>>) dst(%arg6 : memref<4x2048xf32, #tpu.memory_space<vmem>>)
      %ge3A = arith.constant 1 : i32
      %ge3A_82 = arith.cmpi sge, %scan3A_68, %ge3A : i32
      %convert_element_type3A = arith.extui %ge3A_82 : i1 to i32
      %cond3A = arith.constant 0 : i32
      %cond3A_83 = arith.cmpi ne, %convert_element_type3A, %cond3A : i32
      scf.if %cond3A_83 {
        %sub3A = arith.constant 4 : i32
        %sub3A_204 = arith.subi %add3A_72, %sub3A : i32
        %mul3A_205 = arith.constant 32 : i32
        %mul3A_206 = arith.muli %mul3A_205, %sub3A_204 : i32
        %add3A_207 = arith.addi %add3A, %mul3A_206 : i32
        %mul3A_208 = arith.constant 4 : i32
        %mul3A_209 = arith.muli %add3A_207, %mul3A_208 : i32
        %dma_wait3A_210 = arith.constant 0 : i32
        %dma_wait3A_211 = tpu.memref_slice %arg4[%mul3A_209, %dma_wait3A_210] : memref<16384x2048xf32, #tpu.memory_space<hbm>> -> memref<4x2048xf32, #tpu.memory_space<hbm>>
        %dma_wait3A_212 = arith.constant 0 : i32
        %dma_wait3A_213 = tpu.memref_slice %arg4[%mul3A_209, %dma_wait3A_212] : memref<16384x2048xf32, #tpu.memory_space<hbm>> -> memref<4x2048xf32, #tpu.memory_space<hbm>>
        tpu.wait_dma2 semaphore(%arg18 : memref<!tpu.dma_semaphore, #tpu.memory_space<semaphore_mem>>) src(%arg10 : memref<4x2048xf32, #tpu.memory_space<vmem>>) dst(%dma_wait3A_213 : memref<4x2048xf32, #tpu.memory_space<hbm>>)
      } else {
      }
      %parallel_loop3A = arith.constant 0 : i32
      %parallel_loop3A_84 = arith.constant 128 : i32
      %parallel_loop3A_85 = arith.constant 1 : i32
      scf.for %parallel_loop3A_204 = %parallel_loop3A to %parallel_loop3A_84 step %parallel_loop3A_85  : i32 {
        %parallel_loop3A_205 = arith.constant 16 : i32
        %parallel_loop3A_206 = arith.muli %parallel_loop3A_204, %parallel_loop3A_205 : i32
        %parallel_loop3A_207 = arith.index_cast %parallel_loop3A_206 : i32 to index
        %parallel_loop3A_208 = tpu.vector_load %arg5[%parallel_loop3A_207] {strides = array<i32>} : memref<2048xi32, #tpu.memory_space<vmem>>, vector<16xi32>,
        %parallel_loop3A_209 = arith.subi %parallel_loop3A_208, %parallel_loop3A_208 : vector<16xi32>
        %parallel_loop3A_210 = arith.constant 0 : i32
        %parallel_loop3A_211 = vector.broadcast %parallel_loop3A_210 : i32 to vector<16xi32>
        %parallel_loop3A_212 = arith.addi %parallel_loop3A_209, %parallel_loop3A_211 : vector<16xi32>
        %parallel_loop3A_213 = tpu.vector_load_idx %arg6[%parallel_loop3A_212, %parallel_loop3A_208] : memref<4x2048xf32, #tpu.memory_space<vmem>>[vector<16xi32>, vector<16xi32>], vector<16xf32>,
        %parallel_loop3A_214 = arith.constant 0 : i32
        %parallel_loop3A_215 = arith.index_cast %parallel_loop3A_214 : i32 to index
        %parallel_loop3A_216 = arith.index_cast %parallel_loop3A_206 : i32 to index
        %parallel_loop3A_217 = tpu.vector_load %arg10[%parallel_loop3A_215, %parallel_loop3A_216] {strides = array<i32>} : memref<4x2048xf32, #tpu.memory_space<vmem>>, vector<16xf32>,
        tpu.vector_store %arg10[%parallel_loop3A_215, %parallel_loop3A_216], %parallel_loop3A_213 {strides = array<i32>} : memref<4x2048xf32, #tpu.memory_space<vmem>>, vector<16xf32>,
        %parallel_loop3A_218 = arith.constant 1 : i32
        %parallel_loop3A_219 = vector.broadcast %parallel_loop3A_218 : i32 to vector<16xi32>
        %parallel_loop3A_220 = arith.addi %parallel_loop3A_209, %parallel_loop3A_219 : vector<16xi32>
        %parallel_loop3A_221 = tpu.vector_load_idx %arg6[%parallel_loop3A_220, %parallel_loop3A_208] : memref<4x2048xf32, #tpu.memory_space<vmem>>[vector<16xi32>, vector<16xi32>], vector<16xf32>,
        %parallel_loop3A_222 = arith.constant 1 : i32
        %parallel_loop3A_223 = arith.index_cast %parallel_loop3A_222 : i32 to index
        %parallel_loop3A_224 = arith.index_cast %parallel_loop3A_206 : i32 to index
        %parallel_loop3A_225 = tpu.vector_load %arg10[%parallel_loop3A_223, %parallel_loop3A_224] {strides = array<i32>} : memref<4x2048xf32, #tpu.memory_space<vmem>>, vector<16xf32>,
        tpu.vector_store %arg10[%parallel_loop3A_223, %parallel_loop3A_224], %parallel_loop3A_221 {strides = array<i32>} : memref<4x2048xf32, #tpu.memory_space<vmem>>, vector<16xf32>,
        %parallel_loop3A_226 = arith.constant 2 : i32
        %parallel_loop3A_227 = vector.broadcast %parallel_loop3A_226 : i32 to vector<16xi32>
        %parallel_loop3A_228 = arith.addi %parallel_loop3A_209, %parallel_loop3A_227 : vector<16xi32>
        %parallel_loop3A_229 = tpu.vector_load_idx %arg6[%parallel_loop3A_228, %parallel_loop3A_208] : memref<4x2048xf32, #tpu.memory_space<vmem>>[vector<16xi32>, vector<16xi32>], vector<16xf32>,
        %parallel_loop3A_230 = arith.constant 2 : i32
        %parallel_loop3A_231 = arith.index_cast %parallel_loop3A_230 : i32 to index
        %parallel_loop3A_232 = arith.index_cast %parallel_loop3A_206 : i32 to index
        %parallel_loop3A_233 = tpu.vector_load %arg10[%parallel_loop3A_231, %parallel_loop3A_232] {strides = array<i32>} : memref<4x2048xf32, #tpu.memory_space<vmem>>, vector<16xf32>,
        tpu.vector_store %arg10[%parallel_loop3A_231, %parallel_loop3A_232], %parallel_loop3A_229 {strides = array<i32>} : memref<4x2048xf32, #tpu.memory_space<vmem>>, vector<16xf32>,
        %parallel_loop3A_234 = arith.constant 3 : i32
        %parallel_loop3A_235 = vector.broadcast %parallel_loop3A_234 : i32 to vector<16xi32>
        %parallel_loop3A_236 = arith.addi %parallel_loop3A_209, %parallel_loop3A_235 : vector<16xi32>
        %parallel_loop3A_237 = tpu.vector_load_idx %arg6[%parallel_loop3A_236, %parallel_loop3A_208] : memref<4x2048xf32, #tpu.memory_space<vmem>>[vector<16xi32>, vector<16xi32>], vector<16xf32>,
        %parallel_loop3A_238 = arith.constant 3 : i32
        %parallel_loop3A_239 = arith.index_cast %parallel_loop3A_238 : i32 to index
        %parallel_loop3A_240 = arith.index_cast %parallel_loop3A_206 : i32 to index
        %parallel_loop3A_241 = tpu.vector_load %arg10[%parallel_loop3A_239, %parallel_loop3A_240] {strides = array<i32>} : memref<4x2048xf32, #tpu.memory_space<vmem>>, vector<16xf32>,
        tpu.vector_store %arg10[%parallel_loop3A_239, %parallel_loop3A_240], %parallel_loop3A_237 {strides = array<i32>} : memref<4x2048xf32, #tpu.memory_space<vmem>>, vector<16xf32>,
      } {sc.loop_unroll_factor = 8 : i64, sc.parallel_access}
      %mul3A_86 = arith.constant 32 : i32
      %mul3A_87 = arith.muli %mul3A_86, %add3A_72 : i32
      %add3A_88 = arith.addi %add3A, %mul3A_87 : i32
      %mul3A_89 = arith.constant 4 : i32
      %mul3A_90 = arith.muli %add3A_88, %mul3A_89 : i32
      %dma_start3A_91 = arith.constant 0 : i32
      %dma_start3A_92 = tpu.memref_slice %arg4[%mul3A_90, %dma_start3A_91] : memref<16384x2048xf32, #tpu.memory_space<hbm>> -> memref<4x2048xf32, #tpu.memory_space<hbm>>
      %dma_start3A_93 = arith.constant 0 : i32
      %dma_start3A_94 = tpu.memref_slice %arg4[%mul3A_90, %dma_start3A_93] : memref<16384x2048xf32, #tpu.memory_space<hbm>> -> memref<4x2048xf32, #tpu.memory_space<hbm>>
      tpu.enqueue_dma source(%arg10 : memref<4x2048xf32, #tpu.memory_space<vmem>>) target(%dma_start3A_94 : memref<4x2048xf32, #tpu.memory_space<hbm>>) target_semaphore(%arg18 : memref<!tpu.dma_semaphore, #tpu.memory_space<semaphore_mem>>)
      %lt3A = arith.constant 31 : i32
      %lt3A_95 = arith.cmpi slt, %scan3A_68, %lt3A : i32
      %convert_element_type3A_96 = arith.extui %lt3A_95 : i1 to i32
      %cond3A_97 = arith.constant 0 : i32
      %cond3A_98 = arith.cmpi ne, %convert_element_type3A_96, %cond3A_97 : i32
      scf.if %cond3A_98 {
        %add3A_204 = arith.constant 4 : i32
        %add3A_205 = arith.addi %add3A_72, %add3A_204 : i32
        %mul3A_206 = arith.constant 32 : i32
        %mul3A_207 = arith.muli %mul3A_206, %add3A_205 : i32
        %add3A_208 = arith.addi %add3A, %mul3A_207 : i32
        %mul3A_209 = arith.constant 4 : i32
        %mul3A_210 = arith.muli %add3A_208, %mul3A_209 : i32
        %dma_start3A_211 = arith.constant 0 : i32
        %dma_start3A_212 = tpu.memref_slice %arg2[%mul3A_210, %dma_start3A_211] : memref<16384x2048xf32, #tpu.memory_space<hbm>> -> memref<4x2048xf32, #tpu.memory_space<hbm>>
        %dma_start3A_213 = arith.constant 0 : i32
        %dma_start3A_214 = tpu.memref_slice %arg2[%mul3A_210, %dma_start3A_213] : memref<16384x2048xf32, #tpu.memory_space<hbm>> -> memref<4x2048xf32, #tpu.memory_space<hbm>>
        tpu.enqueue_dma source(%dma_start3A_214 : memref<4x2048xf32, #tpu.memory_space<hbm>>) target(%arg6 : memref<4x2048xf32, #tpu.memory_space<vmem>>) target_semaphore(%arg14 : memref<!tpu.dma_semaphore, #tpu.memory_space<semaphore_mem>>)
      } else {
      }
      %mul3A_99 = arith.constant 4 : i32
      %mul3A_100 = arith.muli %mul3A_99, %scan3A_68 : i32
      %add3A_101 = arith.constant 1 : i32
      %add3A_102 = arith.addi %mul3A_100, %add3A_101 : i32
      %mul3A_103 = arith.constant 32 : i32
      %mul3A_104 = arith.muli %mul3A_103, %add3A_102 : i32
      %add3A_105 = arith.addi %add3A, %mul3A_104 : i32
      %mul3A_106 = arith.constant 4 : i32
      %mul3A_107 = arith.muli %add3A_105, %mul3A_106 : i32
      %dma_wait3A_108 = arith.constant 0 : i32
      %dma_wait3A_109 = tpu.memref_slice %arg2[%mul3A_107, %dma_wait3A_108] : memref<16384x2048xf32, #tpu.memory_space<hbm>> -> memref<4x2048xf32, #tpu.memory_space<hbm>>
      %dma_wait3A_110 = arith.constant 0 : i32
      %dma_wait3A_111 = tpu.memref_slice %arg2[%mul3A_107, %dma_wait3A_110] : memref<16384x2048xf32, #tpu.memory_space<hbm>> -> memref<4x2048xf32, #tpu.memory_space<hbm>>
      tpu.wait_dma2 semaphore(%arg15 : memref<!tpu.dma_semaphore, #tpu.memory_space<semaphore_mem>>) src(%dma_wait3A_111 : memref<4x2048xf32, #tpu.memory_space<hbm>>) dst(%arg7 : memref<4x2048xf32, #tpu.memory_space<vmem>>)
      %ge3A_112 = arith.constant 1 : i32
      %ge3A_113 = arith.cmpi sge, %scan3A_68, %ge3A_112 : i32
      %convert_element_type3A_114 = arith.extui %ge3A_113 : i1 to i32
      %cond3A_115 = arith.constant 0 : i32
      %cond3A_116 = arith.cmpi ne, %convert_element_type3A_114, %cond3A_115 : i32
      scf.if %cond3A_116 {
        %sub3A = arith.constant 4 : i32
        %sub3A_204 = arith.subi %add3A_102, %sub3A : i32
        %mul3A_205 = arith.constant 32 : i32
        %mul3A_206 = arith.muli %mul3A_205, %sub3A_204 : i32
        %add3A_207 = arith.addi %add3A, %mul3A_206 : i32
        %mul3A_208 = arith.constant 4 : i32
        %mul3A_209 = arith.muli %add3A_207, %mul3A_208 : i32
        %dma_wait3A_210 = arith.constant 0 : i32
        %dma_wait3A_211 = tpu.memref_slice %arg4[%mul3A_209, %dma_wait3A_210] : memref<16384x2048xf32, #tpu.memory_space<hbm>> -> memref<4x2048xf32, #tpu.memory_space<hbm>>
        %dma_wait3A_212 = arith.constant 0 : i32
        %dma_wait3A_213 = tpu.memref_slice %arg4[%mul3A_209, %dma_wait3A_212] : memref<16384x2048xf32, #tpu.memory_space<hbm>> -> memref<4x2048xf32, #tpu.memory_space<hbm>>
        tpu.wait_dma2 semaphore(%arg19 : memref<!tpu.dma_semaphore, #tpu.memory_space<semaphore_mem>>) src(%arg11 : memref<4x2048xf32, #tpu.memory_space<vmem>>) dst(%dma_wait3A_213 : memref<4x2048xf32, #tpu.memory_space<hbm>>)
      } else {
      }
      %parallel_loop3A_117 = arith.constant 0 : i32
      %parallel_loop3A_118 = arith.constant 128 : i32
      %parallel_loop3A_119 = arith.constant 1 : i32
      scf.for %parallel_loop3A_204 = %parallel_loop3A_117 to %parallel_loop3A_118 step %parallel_loop3A_119  : i32 {
        %parallel_loop3A_205 = arith.constant 16 : i32
        %parallel_loop3A_206 = arith.muli %parallel_loop3A_204, %parallel_loop3A_205 : i32
        %parallel_loop3A_207 = arith.index_cast %parallel_loop3A_206 : i32 to index
        %parallel_loop3A_208 = tpu.vector_load %arg5[%parallel_loop3A_207] {strides = array<i32>} : memref<2048xi32, #tpu.memory_space<vmem>>, vector<16xi32>,
        %parallel_loop3A_209 = arith.subi %parallel_loop3A_208, %parallel_loop3A_208 : vector<16xi32>
        %parallel_loop3A_210 = arith.constant 0 : i32
        %parallel_loop3A_211 = vector.broadcast %parallel_loop3A_210 : i32 to vector<16xi32>
        %parallel_loop3A_212 = arith.addi %parallel_loop3A_209, %parallel_loop3A_211 : vector<16xi32>
        %parallel_loop3A_213 = tpu.vector_load_idx %arg7[%parallel_loop3A_212, %parallel_loop3A_208] : memref<4x2048xf32, #tpu.memory_space<vmem>>[vector<16xi32>, vector<16xi32>], vector<16xf32>,
        %parallel_loop3A_214 = arith.constant 0 : i32
        %parallel_loop3A_215 = arith.index_cast %parallel_loop3A_214 : i32 to index
        %parallel_loop3A_216 = arith.index_cast %parallel_loop3A_206 : i32 to index
        %parallel_loop3A_217 = tpu.vector_load %arg11[%parallel_loop3A_215, %parallel_loop3A_216] {strides = array<i32>} : memref<4x2048xf32, #tpu.memory_space<vmem>>, vector<16xf32>,
        tpu.vector_store %arg11[%parallel_loop3A_215, %parallel_loop3A_216], %parallel_loop3A_213 {strides = array<i32>} : memref<4x2048xf32, #tpu.memory_space<vmem>>, vector<16xf32>,
        %parallel_loop3A_218 = arith.constant 1 : i32
        %parallel_loop3A_219 = vector.broadcast %parallel_loop3A_218 : i32 to vector<16xi32>
        %parallel_loop3A_220 = arith.addi %parallel_loop3A_209, %parallel_loop3A_219 : vector<16xi32>
        %parallel_loop3A_221 = tpu.vector_load_idx %arg7[%parallel_loop3A_220, %parallel_loop3A_208] : memref<4x2048xf32, #tpu.memory_space<vmem>>[vector<16xi32>, vector<16xi32>], vector<16xf32>,
        %parallel_loop3A_222 = arith.constant 1 : i32
        %parallel_loop3A_223 = arith.index_cast %parallel_loop3A_222 : i32 to index
        %parallel_loop3A_224 = arith.index_cast %parallel_loop3A_206 : i32 to index
        %parallel_loop3A_225 = tpu.vector_load %arg11[%parallel_loop3A_223, %parallel_loop3A_224] {strides = array<i32>} : memref<4x2048xf32, #tpu.memory_space<vmem>>, vector<16xf32>,
        tpu.vector_store %arg11[%parallel_loop3A_223, %parallel_loop3A_224], %parallel_loop3A_221 {strides = array<i32>} : memref<4x2048xf32, #tpu.memory_space<vmem>>, vector<16xf32>,
        %parallel_loop3A_226 = arith.constant 2 : i32
        %parallel_loop3A_227 = vector.broadcast %parallel_loop3A_226 : i32 to vector<16xi32>
        %parallel_loop3A_228 = arith.addi %parallel_loop3A_209, %parallel_loop3A_227 : vector<16xi32>
        %parallel_loop3A_229 = tpu.vector_load_idx %arg7[%parallel_loop3A_228, %parallel_loop3A_208] : memref<4x2048xf32, #tpu.memory_space<vmem>>[vector<16xi32>, vector<16xi32>], vector<16xf32>,
        %parallel_loop3A_230 = arith.constant 2 : i32
        %parallel_loop3A_231 = arith.index_cast %parallel_loop3A_230 : i32 to index
        %parallel_loop3A_232 = arith.index_cast %parallel_loop3A_206 : i32 to index
        %parallel_loop3A_233 = tpu.vector_load %arg11[%parallel_loop3A_231, %parallel_loop3A_232] {strides = array<i32>} : memref<4x2048xf32, #tpu.memory_space<vmem>>, vector<16xf32>,
        tpu.vector_store %arg11[%parallel_loop3A_231, %parallel_loop3A_232], %parallel_loop3A_229 {strides = array<i32>} : memref<4x2048xf32, #tpu.memory_space<vmem>>, vector<16xf32>,
        %parallel_loop3A_234 = arith.constant 3 : i32
        %parallel_loop3A_235 = vector.broadcast %parallel_loop3A_234 : i32 to vector<16xi32>
        %parallel_loop3A_236 = arith.addi %parallel_loop3A_209, %parallel_loop3A_235 : vector<16xi32>
        %parallel_loop3A_237 = tpu.vector_load_idx %arg7[%parallel_loop3A_236, %parallel_loop3A_208] : memref<4x2048xf32, #tpu.memory_space<vmem>>[vector<16xi32>, vector<16xi32>], vector<16xf32>,
        %parallel_loop3A_238 = arith.constant 3 : i32
        %parallel_loop3A_239 = arith.index_cast %parallel_loop3A_238 : i32 to index
        %parallel_loop3A_240 = arith.index_cast %parallel_loop3A_206 : i32 to index
        %parallel_loop3A_241 = tpu.vector_load %arg11[%parallel_loop3A_239, %parallel_loop3A_240] {strides = array<i32>} : memref<4x2048xf32, #tpu.memory_space<vmem>>, vector<16xf32>,
        tpu.vector_store %arg11[%parallel_loop3A_239, %parallel_loop3A_240], %parallel_loop3A_237 {strides = array<i32>} : memref<4x2048xf32, #tpu.memory_space<vmem>>, vector<16xf32>,
      } {sc.loop_unroll_factor = 8 : i64, sc.parallel_access}
      %mul3A_120 = arith.constant 32 : i32
      %mul3A_121 = arith.muli %mul3A_120, %add3A_102 : i32
      %add3A_122 = arith.addi %add3A, %mul3A_121 : i32
      %mul3A_123 = arith.constant 4 : i32
      %mul3A_124 = arith.muli %add3A_122, %mul3A_123 : i32
      %dma_start3A_125 = arith.constant 0 : i32
      %dma_start3A_126 = tpu.memref_slice %arg4[%mul3A_124, %dma_start3A_125] : memref<16384x2048xf32, #tpu.memory_space<hbm>> -> memref<4x2048xf32, #tpu.memory_space<hbm>>
      %dma_start3A_127 = arith.constant 0 : i32
      %dma_start3A_128 = tpu.memref_slice %arg4[%mul3A_124, %dma_start3A_127] : memref<16384x2048xf32, #tpu.memory_space<hbm>> -> memref<4x2048xf32, #tpu.memory_space<hbm>>
      tpu.enqueue_dma source(%arg11 : memref<4x2048xf32, #tpu.memory_space<vmem>>) target(%dma_start3A_128 : memref<4x2048xf32, #tpu.memory_space<hbm>>) target_semaphore(%arg19 : memref<!tpu.dma_semaphore, #tpu.memory_space<semaphore_mem>>)
      %lt3A_129 = arith.constant 31 : i32
      %lt3A_130 = arith.cmpi slt, %scan3A_68, %lt3A_129 : i32
      %convert_element_type3A_131 = arith.extui %lt3A_130 : i1 to i32
      %cond3A_132 = arith.constant 0 : i32
      %cond3A_133 = arith.cmpi ne, %convert_element_type3A_131, %cond3A_132 : i32
      scf.if %cond3A_133 {
        %add3A_204 = arith.constant 4 : i32
        %add3A_205 = arith.addi %add3A_102, %add3A_204 : i32
        %mul3A_206 = arith.constant 32 : i32
        %mul3A_207 = arith.muli %mul3A_206, %add3A_205 : i32
        %add3A_208 = arith.addi %add3A, %mul3A_207 : i32
        %mul3A_209 = arith.constant 4 : i32
        %mul3A_210 = arith.muli %add3A_208, %mul3A_209 : i32
        %dma_start3A_211 = arith.constant 0 : i32
        %dma_start3A_212 = tpu.memref_slice %arg2[%mul3A_210, %dma_start3A_211] : memref<16384x2048xf32, #tpu.memory_space<hbm>> -> memref<4x2048xf32, #tpu.memory_space<hbm>>
        %dma_start3A_213 = arith.constant 0 : i32
        %dma_start3A_214 = tpu.memref_slice %arg2[%mul3A_210, %dma_start3A_213] : memref<16384x2048xf32, #tpu.memory_space<hbm>> -> memref<4x2048xf32, #tpu.memory_space<hbm>>
        tpu.enqueue_dma source(%dma_start3A_214 : memref<4x2048xf32, #tpu.memory_space<hbm>>) target(%arg7 : memref<4x2048xf32, #tpu.memory_space<vmem>>) target_semaphore(%arg15 : memref<!tpu.dma_semaphore, #tpu.memory_space<semaphore_mem>>)
      } else {
      }
      %mul3A_134 = arith.constant 4 : i32
      %mul3A_135 = arith.muli %mul3A_134, %scan3A_68 : i32
      %add3A_136 = arith.constant 2 : i32
      %add3A_137 = arith.addi %mul3A_135, %add3A_136 : i32
      %mul3A_138 = arith.constant 32 : i32
      %mul3A_139 = arith.muli %mul3A_138, %add3A_137 : i32
      %add3A_140 = arith.addi %add3A, %mul3A_139 : i32
      %mul3A_141 = arith.constant 4 : i32
      %mul3A_142 = arith.muli %add3A_140, %mul3A_141 : i32
      %dma_wait3A_143 = arith.constant 0 : i32
      %dma_wait3A_144 = tpu.memref_slice %arg2[%mul3A_142, %dma_wait3A_143] : memref<16384x2048xf32, #tpu.memory_space<hbm>> -> memref<4x2048xf32, #tpu.memory_space<hbm>>
      %dma_wait3A_145 = arith.constant 0 : i32
      %dma_wait3A_146 = tpu.memref_slice %arg2[%mul3A_142, %dma_wait3A_145] : memref<16384x2048xf32, #tpu.memory_space<hbm>> -> memref<4x2048xf32, #tpu.memory_space<hbm>>
      tpu.wait_dma2 semaphore(%arg16 : memref<!tpu.dma_semaphore, #tpu.memory_space<semaphore_mem>>) src(%dma_wait3A_146 : memref<4x2048xf32, #tpu.memory_space<hbm>>) dst(%arg8 : memref<4x2048xf32, #tpu.memory_space<vmem>>)
      %ge3A_147 = arith.constant 1 : i32
      %ge3A_148 = arith.cmpi sge, %scan3A_68, %ge3A_147 : i32
      %convert_element_type3A_149 = arith.extui %ge3A_148 : i1 to i32
      %cond3A_150 = arith.constant 0 : i32
      %cond3A_151 = arith.cmpi ne, %convert_element_type3A_149, %cond3A_150 : i32
      scf.if %cond3A_151 {
        %sub3A = arith.constant 4 : i32
        %sub3A_204 = arith.subi %add3A_137, %sub3A : i32
        %mul3A_205 = arith.constant 32 : i32
        %mul3A_206 = arith.muli %mul3A_205, %sub3A_204 : i32
        %add3A_207 = arith.addi %add3A, %mul3A_206 : i32
        %mul3A_208 = arith.constant 4 : i32
        %mul3A_209 = arith.muli %add3A_207, %mul3A_208 : i32
        %dma_wait3A_210 = arith.constant 0 : i32
        %dma_wait3A_211 = tpu.memref_slice %arg4[%mul3A_209, %dma_wait3A_210] : memref<16384x2048xf32, #tpu.memory_space<hbm>> -> memref<4x2048xf32, #tpu.memory_space<hbm>>
        %dma_wait3A_212 = arith.constant 0 : i32
        %dma_wait3A_213 = tpu.memref_slice %arg4[%mul3A_209, %dma_wait3A_212] : memref<16384x2048xf32, #tpu.memory_space<hbm>> -> memref<4x2048xf32, #tpu.memory_space<hbm>>
        tpu.wait_dma2 semaphore(%arg20 : memref<!tpu.dma_semaphore, #tpu.memory_space<semaphore_mem>>) src(%arg12 : memref<4x2048xf32, #tpu.memory_space<vmem>>) dst(%dma_wait3A_213 : memref<4x2048xf32, #tpu.memory_space<hbm>>)
      } else {
      }
      %parallel_loop3A_152 = arith.constant 0 : i32
      %parallel_loop3A_153 = arith.constant 128 : i32
      %parallel_loop3A_154 = arith.constant 1 : i32
      scf.for %parallel_loop3A_204 = %parallel_loop3A_152 to %parallel_loop3A_153 step %parallel_loop3A_154  : i32 {
        %parallel_loop3A_205 = arith.constant 16 : i32
        %parallel_loop3A_206 = arith.muli %parallel_loop3A_204, %parallel_loop3A_205 : i32
        %parallel_loop3A_207 = arith.index_cast %parallel_loop3A_206 : i32 to index
        %parallel_loop3A_208 = tpu.vector_load %arg5[%parallel_loop3A_207] {strides = array<i32>} : memref<2048xi32, #tpu.memory_space<vmem>>, vector<16xi32>,
        %parallel_loop3A_209 = arith.subi %parallel_loop3A_208, %parallel_loop3A_208 : vector<16xi32>
        %parallel_loop3A_210 = arith.constant 0 : i32
        %parallel_loop3A_211 = vector.broadcast %parallel_loop3A_210 : i32 to vector<16xi32>
        %parallel_loop3A_212 = arith.addi %parallel_loop3A_209, %parallel_loop3A_211 : vector<16xi32>
        %parallel_loop3A_213 = tpu.vector_load_idx %arg8[%parallel_loop3A_212, %parallel_loop3A_208] : memref<4x2048xf32, #tpu.memory_space<vmem>>[vector<16xi32>, vector<16xi32>], vector<16xf32>,
        %parallel_loop3A_214 = arith.constant 0 : i32
        %parallel_loop3A_215 = arith.index_cast %parallel_loop3A_214 : i32 to index
        %parallel_loop3A_216 = arith.index_cast %parallel_loop3A_206 : i32 to index
        %parallel_loop3A_217 = tpu.vector_load %arg12[%parallel_loop3A_215, %parallel_loop3A_216] {strides = array<i32>} : memref<4x2048xf32, #tpu.memory_space<vmem>>, vector<16xf32>,
        tpu.vector_store %arg12[%parallel_loop3A_215, %parallel_loop3A_216], %parallel_loop3A_213 {strides = array<i32>} : memref<4x2048xf32, #tpu.memory_space<vmem>>, vector<16xf32>,
        %parallel_loop3A_218 = arith.constant 1 : i32
        %parallel_loop3A_219 = vector.broadcast %parallel_loop3A_218 : i32 to vector<16xi32>
        %parallel_loop3A_220 = arith.addi %parallel_loop3A_209, %parallel_loop3A_219 : vector<16xi32>
        %parallel_loop3A_221 = tpu.vector_load_idx %arg8[%parallel_loop3A_220, %parallel_loop3A_208] : memref<4x2048xf32, #tpu.memory_space<vmem>>[vector<16xi32>, vector<16xi32>], vector<16xf32>,
        %parallel_loop3A_222 = arith.constant 1 : i32
        %parallel_loop3A_223 = arith.index_cast %parallel_loop3A_222 : i32 to index
        %parallel_loop3A_224 = arith.index_cast %parallel_loop3A_206 : i32 to index
        %parallel_loop3A_225 = tpu.vector_load %arg12[%parallel_loop3A_223, %parallel_loop3A_224] {strides = array<i32>} : memref<4x2048xf32, #tpu.memory_space<vmem>>, vector<16xf32>,
        tpu.vector_store %arg12[%parallel_loop3A_223, %parallel_loop3A_224], %parallel_loop3A_221 {strides = array<i32>} : memref<4x2048xf32, #tpu.memory_space<vmem>>, vector<16xf32>,
        %parallel_loop3A_226 = arith.constant 2 : i32
        %parallel_loop3A_227 = vector.broadcast %parallel_loop3A_226 : i32 to vector<16xi32>
        %parallel_loop3A_228 = arith.addi %parallel_loop3A_209, %parallel_loop3A_227 : vector<16xi32>
        %parallel_loop3A_229 = tpu.vector_load_idx %arg8[%parallel_loop3A_228, %parallel_loop3A_208] : memref<4x2048xf32, #tpu.memory_space<vmem>>[vector<16xi32>, vector<16xi32>], vector<16xf32>,
        %parallel_loop3A_230 = arith.constant 2 : i32
        %parallel_loop3A_231 = arith.index_cast %parallel_loop3A_230 : i32 to index
        %parallel_loop3A_232 = arith.index_cast %parallel_loop3A_206 : i32 to index
        %parallel_loop3A_233 = tpu.vector_load %arg12[%parallel_loop3A_231, %parallel_loop3A_232] {strides = array<i32>} : memref<4x2048xf32, #tpu.memory_space<vmem>>, vector<16xf32>,
        tpu.vector_store %arg12[%parallel_loop3A_231, %parallel_loop3A_232], %parallel_loop3A_229 {strides = array<i32>} : memref<4x2048xf32, #tpu.memory_space<vmem>>, vector<16xf32>,
        %parallel_loop3A_234 = arith.constant 3 : i32
        %parallel_loop3A_235 = vector.broadcast %parallel_loop3A_234 : i32 to vector<16xi32>
        %parallel_loop3A_236 = arith.addi %parallel_loop3A_209, %parallel_loop3A_235 : vector<16xi32>
        %parallel_loop3A_237 = tpu.vector_load_idx %arg8[%parallel_loop3A_236, %parallel_loop3A_208] : memref<4x2048xf32, #tpu.memory_space<vmem>>[vector<16xi32>, vector<16xi32>], vector<16xf32>,
        %parallel_loop3A_238 = arith.constant 3 : i32
        %parallel_loop3A_239 = arith.index_cast %parallel_loop3A_238 : i32 to index
        %parallel_loop3A_240 = arith.index_cast %parallel_loop3A_206 : i32 to index
        %parallel_loop3A_241 = tpu.vector_load %arg12[%parallel_loop3A_239, %parallel_loop3A_240] {strides = array<i32>} : memref<4x2048xf32, #tpu.memory_space<vmem>>, vector<16xf32>,
        tpu.vector_store %arg12[%parallel_loop3A_239, %parallel_loop3A_240], %parallel_loop3A_237 {strides = array<i32>} : memref<4x2048xf32, #tpu.memory_space<vmem>>, vector<16xf32>,
      } {sc.loop_unroll_factor = 8 : i64, sc.parallel_access}
      %mul3A_155 = arith.constant 32 : i32
      %mul3A_156 = arith.muli %mul3A_155, %add3A_137 : i32
      %add3A_157 = arith.addi %add3A, %mul3A_156 : i32
      %mul3A_158 = arith.constant 4 : i32
      %mul3A_159 = arith.muli %add3A_157, %mul3A_158 : i32
      %dma_start3A_160 = arith.constant 0 : i32
      %dma_start3A_161 = tpu.memref_slice %arg4[%mul3A_159, %dma_start3A_160] : memref<16384x2048xf32, #tpu.memory_space<hbm>> -> memref<4x2048xf32, #tpu.memory_space<hbm>>
      %dma_start3A_162 = arith.constant 0 : i32
      %dma_start3A_163 = tpu.memref_slice %arg4[%mul3A_159, %dma_start3A_162] : memref<16384x2048xf32, #tpu.memory_space<hbm>> -> memref<4x2048xf32, #tpu.memory_space<hbm>>
      tpu.enqueue_dma source(%arg12 : memref<4x2048xf32, #tpu.memory_space<vmem>>) target(%dma_start3A_163 : memref<4x2048xf32, #tpu.memory_space<hbm>>) target_semaphore(%arg20 : memref<!tpu.dma_semaphore, #tpu.memory_space<semaphore_mem>>)
      %lt3A_164 = arith.constant 31 : i32
      %lt3A_165 = arith.cmpi slt, %scan3A_68, %lt3A_164 : i32
      %convert_element_type3A_166 = arith.extui %lt3A_165 : i1 to i32
      %cond3A_167 = arith.constant 0 : i32
      %cond3A_168 = arith.cmpi ne, %convert_element_type3A_166, %cond3A_167 : i32
      scf.if %cond3A_168 {
        %add3A_204 = arith.constant 4 : i32
        %add3A_205 = arith.addi %add3A_137, %add3A_204 : i32
        %mul3A_206 = arith.constant 32 : i32
        %mul3A_207 = arith.muli %mul3A_206, %add3A_205 : i32
        %add3A_208 = arith.addi %add3A, %mul3A_207 : i32
        %mul3A_209 = arith.constant 4 : i32
        %mul3A_210 = arith.muli %add3A_208, %mul3A_209 : i32
        %dma_start3A_211 = arith.constant 0 : i32
        %dma_start3A_212 = tpu.memref_slice %arg2[%mul3A_210, %dma_start3A_211] : memref<16384x2048xf32, #tpu.memory_space<hbm>> -> memref<4x2048xf32, #tpu.memory_space<hbm>>
        %dma_start3A_213 = arith.constant 0 : i32
        %dma_start3A_214 = tpu.memref_slice %arg2[%mul3A_210, %dma_start3A_213] : memref<16384x2048xf32, #tpu.memory_space<hbm>> -> memref<4x2048xf32, #tpu.memory_space<hbm>>
        tpu.enqueue_dma source(%dma_start3A_214 : memref<4x2048xf32, #tpu.memory_space<hbm>>) target(%arg8 : memref<4x2048xf32, #tpu.memory_space<vmem>>) target_semaphore(%arg16 : memref<!tpu.dma_semaphore, #tpu.memory_space<semaphore_mem>>)
      } else {
      }
      %mul3A_169 = arith.constant 4 : i32
      %mul3A_170 = arith.muli %mul3A_169, %scan3A_68 : i32
      %add3A_171 = arith.constant 3 : i32
      %add3A_172 = arith.addi %mul3A_170, %add3A_171 : i32
      %mul3A_173 = arith.constant 32 : i32
      %mul3A_174 = arith.muli %mul3A_173, %add3A_172 : i32
      %add3A_175 = arith.addi %add3A, %mul3A_174 : i32
      %mul3A_176 = arith.constant 4 : i32
      %mul3A_177 = arith.muli %add3A_175, %mul3A_176 : i32
      %dma_wait3A_178 = arith.constant 0 : i32
      %dma_wait3A_179 = tpu.memref_slice %arg2[%mul3A_177, %dma_wait3A_178] : memref<16384x2048xf32, #tpu.memory_space<hbm>> -> memref<4x2048xf32, #tpu.memory_space<hbm>>
      %dma_wait3A_180 = arith.constant 0 : i32
      %dma_wait3A_181 = tpu.memref_slice %arg2[%mul3A_177, %dma_wait3A_180] : memref<16384x2048xf32, #tpu.memory_space<hbm>> -> memref<4x2048xf32, #tpu.memory_space<hbm>>
      tpu.wait_dma2 semaphore(%arg17 : memref<!tpu.dma_semaphore, #tpu.memory_space<semaphore_mem>>) src(%dma_wait3A_181 : memref<4x2048xf32, #tpu.memory_space<hbm>>) dst(%arg9 : memref<4x2048xf32, #tpu.memory_space<vmem>>)
      %ge3A_182 = arith.constant 1 : i32
      %ge3A_183 = arith.cmpi sge, %scan3A_68, %ge3A_182 : i32
      %convert_element_type3A_184 = arith.extui %ge3A_183 : i1 to i32
      %cond3A_185 = arith.constant 0 : i32
      %cond3A_186 = arith.cmpi ne, %convert_element_type3A_184, %cond3A_185 : i32
      scf.if %cond3A_186 {
        %sub3A = arith.constant 4 : i32
        %sub3A_204 = arith.subi %add3A_172, %sub3A : i32
        %mul3A_205 = arith.constant 32 : i32
        %mul3A_206 = arith.muli %mul3A_205, %sub3A_204 : i32
        %add3A_207 = arith.addi %add3A, %mul3A_206 : i32
        %mul3A_208 = arith.constant 4 : i32
        %mul3A_209 = arith.muli %add3A_207, %mul3A_208 : i32
        %dma_wait3A_210 = arith.constant 0 : i32
        %dma_wait3A_211 = tpu.memref_slice %arg4[%mul3A_209, %dma_wait3A_210] : memref<16384x2048xf32, #tpu.memory_space<hbm>> -> memref<4x2048xf32, #tpu.memory_space<hbm>>
        %dma_wait3A_212 = arith.constant 0 : i32
        %dma_wait3A_213 = tpu.memref_slice %arg4[%mul3A_209, %dma_wait3A_212] : memref<16384x2048xf32, #tpu.memory_space<hbm>> -> memref<4x2048xf32, #tpu.memory_space<hbm>>
        tpu.wait_dma2 semaphore(%arg21 : memref<!tpu.dma_semaphore, #tpu.memory_space<semaphore_mem>>) src(%arg13 : memref<4x2048xf32, #tpu.memory_space<vmem>>) dst(%dma_wait3A_213 : memref<4x2048xf32, #tpu.memory_space<hbm>>)
      } else {
      }
      %parallel_loop3A_187 = arith.constant 0 : i32
      %parallel_loop3A_188 = arith.constant 128 : i32
      %parallel_loop3A_189 = arith.constant 1 : i32
      scf.for %parallel_loop3A_204 = %parallel_loop3A_187 to %parallel_loop3A_188 step %parallel_loop3A_189  : i32 {
        %parallel_loop3A_205 = arith.constant 16 : i32
        %parallel_loop3A_206 = arith.muli %parallel_loop3A_204, %parallel_loop3A_205 : i32
        %parallel_loop3A_207 = arith.index_cast %parallel_loop3A_206 : i32 to index
        %parallel_loop3A_208 = tpu.vector_load %arg5[%parallel_loop3A_207] {strides = array<i32>} : memref<2048xi32, #tpu.memory_space<vmem>>, vector<16xi32>,
        %parallel_loop3A_209 = arith.subi %parallel_loop3A_208, %parallel_loop3A_208 : vector<16xi32>
        %parallel_loop3A_210 = arith.constant 0 : i32
        %parallel_loop3A_211 = vector.broadcast %parallel_loop3A_210 : i32 to vector<16xi32>
        %parallel_loop3A_212 = arith.addi %parallel_loop3A_209, %parallel_loop3A_211 : vector<16xi32>
        %parallel_loop3A_213 = tpu.vector_load_idx %arg9[%parallel_loop3A_212, %parallel_loop3A_208] : memref<4x2048xf32, #tpu.memory_space<vmem>>[vector<16xi32>, vector<16xi32>], vector<16xf32>,
        %parallel_loop3A_214 = arith.constant 0 : i32
        %parallel_loop3A_215 = arith.index_cast %parallel_loop3A_214 : i32 to index
        %parallel_loop3A_216 = arith.index_cast %parallel_loop3A_206 : i32 to index
        %parallel_loop3A_217 = tpu.vector_load %arg13[%parallel_loop3A_215, %parallel_loop3A_216] {strides = array<i32>} : memref<4x2048xf32, #tpu.memory_space<vmem>>, vector<16xf32>,
        tpu.vector_store %arg13[%parallel_loop3A_215, %parallel_loop3A_216], %parallel_loop3A_213 {strides = array<i32>} : memref<4x2048xf32, #tpu.memory_space<vmem>>, vector<16xf32>,
        %parallel_loop3A_218 = arith.constant 1 : i32
        %parallel_loop3A_219 = vector.broadcast %parallel_loop3A_218 : i32 to vector<16xi32>
        %parallel_loop3A_220 = arith.addi %parallel_loop3A_209, %parallel_loop3A_219 : vector<16xi32>
        %parallel_loop3A_221 = tpu.vector_load_idx %arg9[%parallel_loop3A_220, %parallel_loop3A_208] : memref<4x2048xf32, #tpu.memory_space<vmem>>[vector<16xi32>, vector<16xi32>], vector<16xf32>,
        %parallel_loop3A_222 = arith.constant 1 : i32
        %parallel_loop3A_223 = arith.index_cast %parallel_loop3A_222 : i32 to index
        %parallel_loop3A_224 = arith.index_cast %parallel_loop3A_206 : i32 to index
        %parallel_loop3A_225 = tpu.vector_load %arg13[%parallel_loop3A_223, %parallel_loop3A_224] {strides = array<i32>} : memref<4x2048xf32, #tpu.memory_space<vmem>>, vector<16xf32>,
        tpu.vector_store %arg13[%parallel_loop3A_223, %parallel_loop3A_224], %parallel_loop3A_221 {strides = array<i32>} : memref<4x2048xf32, #tpu.memory_space<vmem>>, vector<16xf32>,
        %parallel_loop3A_226 = arith.constant 2 : i32
        %parallel_loop3A_227 = vector.broadcast %parallel_loop3A_226 : i32 to vector<16xi32>
        %parallel_loop3A_228 = arith.addi %parallel_loop3A_209, %parallel_loop3A_227 : vector<16xi32>
        %parallel_loop3A_229 = tpu.vector_load_idx %arg9[%parallel_loop3A_228, %parallel_loop3A_208] : memref<4x2048xf32, #tpu.memory_space<vmem>>[vector<16xi32>, vector<16xi32>], vector<16xf32>,
        %parallel_loop3A_230 = arith.constant 2 : i32
        %parallel_loop3A_231 = arith.index_cast %parallel_loop3A_230 : i32 to index
        %parallel_loop3A_232 = arith.index_cast %parallel_loop3A_206 : i32 to index
        %parallel_loop3A_233 = tpu.vector_load %arg13[%parallel_loop3A_231, %parallel_loop3A_232] {strides = array<i32>} : memref<4x2048xf32, #tpu.memory_space<vmem>>, vector<16xf32>,
        tpu.vector_store %arg13[%parallel_loop3A_231, %parallel_loop3A_232], %parallel_loop3A_229 {strides = array<i32>} : memref<4x2048xf32, #tpu.memory_space<vmem>>, vector<16xf32>,
        %parallel_loop3A_234 = arith.constant 3 : i32
        %parallel_loop3A_235 = vector.broadcast %parallel_loop3A_234 : i32 to vector<16xi32>
        %parallel_loop3A_236 = arith.addi %parallel_loop3A_209, %parallel_loop3A_235 : vector<16xi32>
        %parallel_loop3A_237 = tpu.vector_load_idx %arg9[%parallel_loop3A_236, %parallel_loop3A_208] : memref<4x2048xf32, #tpu.memory_space<vmem>>[vector<16xi32>, vector<16xi32>], vector<16xf32>,
        %parallel_loop3A_238 = arith.constant 3 : i32
        %parallel_loop3A_239 = arith.index_cast %parallel_loop3A_238 : i32 to index
        %parallel_loop3A_240 = arith.index_cast %parallel_loop3A_206 : i32 to index
        %parallel_loop3A_241 = tpu.vector_load %arg13[%parallel_loop3A_239, %parallel_loop3A_240] {strides = array<i32>} : memref<4x2048xf32, #tpu.memory_space<vmem>>, vector<16xf32>,
        tpu.vector_store %arg13[%parallel_loop3A_239, %parallel_loop3A_240], %parallel_loop3A_237 {strides = array<i32>} : memref<4x2048xf32, #tpu.memory_space<vmem>>, vector<16xf32>,
      } {sc.loop_unroll_factor = 8 : i64, sc.parallel_access}
      %mul3A_190 = arith.constant 32 : i32
      %mul3A_191 = arith.muli %mul3A_190, %add3A_172 : i32
      %add3A_192 = arith.addi %add3A, %mul3A_191 : i32
      %mul3A_193 = arith.constant 4 : i32
      %mul3A_194 = arith.muli %add3A_192, %mul3A_193 : i32
      %dma_start3A_195 = arith.constant 0 : i32
      %dma_start3A_196 = tpu.memref_slice %arg4[%mul3A_194, %dma_start3A_195] : memref<16384x2048xf32, #tpu.memory_space<hbm>> -> memref<4x2048xf32, #tpu.memory_space<hbm>>
      %dma_start3A_197 = arith.constant 0 : i32
      %dma_start3A_198 = tpu.memref_slice %arg4[%mul3A_194, %dma_start3A_197] : memref<16384x2048xf32, #tpu.memory_space<hbm>> -> memref<4x2048xf32, #tpu.memory_space<hbm>>
      tpu.enqueue_dma source(%arg13 : memref<4x2048xf32, #tpu.memory_space<vmem>>) target(%dma_start3A_198 : memref<4x2048xf32, #tpu.memory_space<hbm>>) target_semaphore(%arg21 : memref<!tpu.dma_semaphore, #tpu.memory_space<semaphore_mem>>)
      %lt3A_199 = arith.constant 31 : i32
      %lt3A_200 = arith.cmpi slt, %scan3A_68, %lt3A_199 : i32
      %convert_element_type3A_201 = arith.extui %lt3A_200 : i1 to i32
      %cond3A_202 = arith.constant 0 : i32
      %cond3A_203 = arith.cmpi ne, %convert_element_type3A_201, %cond3A_202 : i32
      scf.if %cond3A_203 {
        %add3A_204 = arith.constant 4 : i32
        %add3A_205 = arith.addi %add3A_172, %add3A_204 : i32
        %mul3A_206 = arith.constant 32 : i32
        %mul3A_207 = arith.muli %mul3A_206, %add3A_205 : i32
        %add3A_208 = arith.addi %add3A, %mul3A_207 : i32
        %mul3A_209 = arith.constant 4 : i32
        %mul3A_210 = arith.muli %add3A_208, %mul3A_209 : i32
        %dma_start3A_211 = arith.constant 0 : i32
        %dma_start3A_212 = tpu.memref_slice %arg2[%mul3A_210, %dma_start3A_211] : memref<16384x2048xf32, #tpu.memory_space<hbm>> -> memref<4x2048xf32, #tpu.memory_space<hbm>>
        %dma_start3A_213 = arith.constant 0 : i32
        %dma_start3A_214 = tpu.memref_slice %arg2[%mul3A_210, %dma_start3A_213] : memref<16384x2048xf32, #tpu.memory_space<hbm>> -> memref<4x2048xf32, #tpu.memory_space<hbm>>
        tpu.enqueue_dma source(%dma_start3A_214 : memref<4x2048xf32, #tpu.memory_space<hbm>>) target(%arg9 : memref<4x2048xf32, #tpu.memory_space<vmem>>) target_semaphore(%arg17 : memref<!tpu.dma_semaphore, #tpu.memory_space<semaphore_mem>>)
      } else {
      }
    }
    %scan3A_36 = arith.constant 32 : i32
    %add3A_37 = arith.constant 3968 : i32
    %add3A_38 = arith.addi %add3A, %add3A_37 : i32
    %mul3A_39 = arith.constant 4 : i32
    %mul3A_40 = arith.muli %add3A_38, %mul3A_39 : i32
    %dma_wait3A = arith.constant 0 : i32
    %dma_wait3A_41 = tpu.memref_slice %arg4[%mul3A_40, %dma_wait3A] : memref<16384x2048xf32, #tpu.memory_space<hbm>> -> memref<4x2048xf32, #tpu.memory_space<hbm>>
    %dma_wait3A_42 = arith.constant 0 : i32
    %dma_wait3A_43 = tpu.memref_slice %arg4[%mul3A_40, %dma_wait3A_42] : memref<16384x2048xf32, #tpu.memory_space<hbm>> -> memref<4x2048xf32, #tpu.memory_space<hbm>>
    tpu.wait_dma2 semaphore(%arg18 : memref<!tpu.dma_semaphore, #tpu.memory_space<semaphore_mem>>) src(%arg10 : memref<4x2048xf32, #tpu.memory_space<vmem>>) dst(%dma_wait3A_43 : memref<4x2048xf32, #tpu.memory_space<hbm>>)
    %add3A_44 = arith.constant 4000 : i32
    %add3A_45 = arith.addi %add3A, %add3A_44 : i32
    %mul3A_46 = arith.constant 4 : i32
    %mul3A_47 = arith.muli %add3A_45, %mul3A_46 : i32
    %dma_wait3A_48 = arith.constant 0 : i32
    %dma_wait3A_49 = tpu.memref_slice %arg4[%mul3A_47, %dma_wait3A_48] : memref<16384x2048xf32, #tpu.memory_space<hbm>> -> memref<4x2048xf32, #tpu.memory_space<hbm>>
    %dma_wait3A_50 = arith.constant 0 : i32
    %dma_wait3A_51 = tpu.memref_slice %arg4[%mul3A_47, %dma_wait3A_50] : memref<16384x2048xf32, #tpu.memory_space<hbm>> -> memref<4x2048xf32, #tpu.memory_space<hbm>>
    tpu.wait_dma2 semaphore(%arg19 : memref<!tpu.dma_semaphore, #tpu.memory_space<semaphore_mem>>) src(%arg11 : memref<4x2048xf32, #tpu.memory_space<vmem>>) dst(%dma_wait3A_51 : memref<4x2048xf32, #tpu.memory_space<hbm>>)
    %add3A_52 = arith.constant 4032 : i32
    %add3A_53 = arith.addi %add3A, %add3A_52 : i32
    %mul3A_54 = arith.constant 4 : i32
    %mul3A_55 = arith.muli %add3A_53, %mul3A_54 : i32
    %dma_wait3A_56 = arith.constant 0 : i32
    %dma_wait3A_57 = tpu.memref_slice %arg4[%mul3A_55, %dma_wait3A_56] : memref<16384x2048xf32, #tpu.memory_space<hbm>> -> memref<4x2048xf32, #tpu.memory_space<hbm>>
    %dma_wait3A_58 = arith.constant 0 : i32
    %dma_wait3A_59 = tpu.memref_slice %arg4[%mul3A_55, %dma_wait3A_58] : memref<16384x2048xf32, #tpu.memory_space<hbm>> -> memref<4x2048xf32, #tpu.memory_space<hbm>>
    tpu.wait_dma2 semaphore(%arg20 : memref<!tpu.dma_semaphore, #tpu.memory_space<semaphore_mem>>) src(%arg12 : memref<4x2048xf32, #tpu.memory_space<vmem>>) dst(%dma_wait3A_59 : memref<4x2048xf32, #tpu.memory_space<hbm>>)
    %add3A_60 = arith.constant 4064 : i32
    %add3A_61 = arith.addi %add3A, %add3A_60 : i32
    %mul3A_62 = arith.constant 4 : i32
    %mul3A_63 = arith.muli %add3A_61, %mul3A_62 : i32
    %dma_wait3A_64 = arith.constant 0 : i32
    %dma_wait3A_65 = tpu.memref_slice %arg4[%mul3A_63, %dma_wait3A_64] : memref<16384x2048xf32, #tpu.memory_space<hbm>> -> memref<4x2048xf32, #tpu.memory_space<hbm>>
    %dma_wait3A_66 = arith.constant 0 : i32
    %dma_wait3A_67 = tpu.memref_slice %arg4[%mul3A_63, %dma_wait3A_66] : memref<16384x2048xf32, #tpu.memory_space<hbm>> -> memref<4x2048xf32, #tpu.memory_space<hbm>>
    tpu.wait_dma2 semaphore(%arg21 : memref<!tpu.dma_semaphore, #tpu.memory_space<semaphore_mem>>) src(%arg13 : memref<4x2048xf32, #tpu.memory_space<vmem>>) dst(%dma_wait3A_67 : memref<4x2048xf32, #tpu.memory_space<hbm>>)
    return
  }
}

</mosaic_0001>

<sc_bundles>
// kernel: _shuffle.3.cloned.1.call-start
scs
__scs_entry_jumppad:
0x0: {  	(pc) =	sbr.rel $0x88, $3  }
0x1: {  	(tag) =	ssettag $0x0;
	lr =	simm.s32 $0x1  }
0x2: {  	[smem:$0x3F9F] =	sst lr;
	_ =	strace $0xD0000000  }
0x3: {  	_ = 	snop  }
0x4: {  	_ = 	snop  }
0x5: {  	_ = 	snop  }
0x6: {  	_ = 	snop  }
0x7: {  	_ = 	snop  }
__scs_overlays_trampoline_lowered:
0x8: {  	[smem:$0x3FAE] =	sst s0  }
0x9: {  	[smem:$0x3FAF] =	sst s1  }
0xa: {  	[smem:$0x3FB0] =	sst s2  }
0xb: {  	[smem:$0x3FB1] =	sst s3  }
0xc: {  	[smem:$0x3FB2] =	sst s4  }
0xd: {  	[smem:$0x3FB3] =	sst s5  }
0xe: {  	[smem:$0x3FB4] =	sst s6  }
0xf: {  	[smem:$0x3FB5] =	sst s7  }
0x10: {  	[smem:$0x3FB6] =	sst s8  }
0x11: {  	[smem:$0x3FB7] =	sst s9;
	s0 =	simm.s32 @!p0 $0x0  }
0x12: {  	s1 =	sld [smem:$0x3F9D];
	s0 =	simm.s32 @p0 $0x1  }
0x13: {  	[smem:$0x3FB8] =	sst s0;
	s0 =	simm.s32 @!p1 $0x0  }
0x14: {  	s2 =	sld [smem:$0x3F9C];
	s0 =	simm.s32 @p1 $0x1  }
0x15: {  	[smem:$0x3FB9] =	sst s0;
	s0 =	simm.s32 @!p2 $0x0  }
0x16: {  	s3 =	sld [smem:$0x3FDB];
	s0 =	simm.s32 @p2 $0x1  }
0x17: {  	s4 =	simm.s32 $0x1BF5;
	[smem:$0x3FBB] =	sst s0  }
0x18: {  	s0 =	sld [smem:$0x3F9E];
	_ =	swait.ge [sflag:s4], $0x0  }
0x19: {  	s7 =	sld [smem:$0x3F9F]  }
0x1a: {  	s8 =	sadd.s32 $0xFFFFE003, lr  }
0x1b: {  	s9 =	sadd.s32 $0xFFFFFEF7, lr;
	s5 =	simm.s32 $0xFFFFFFFF;
	p2 =	slt.u32 s8, $0xFFFFF086  }
0x1c: {  	p1 =	slt.u32 s9, $0xF7A;
	s5 =	simm.s32 @!p2 $0x0  }
0x1d: {  	s5 =	simm.s32 @p1 $0x1;
	p0 =	seq.s32 s7, s2  }
0x1e: {  	s7 =	smul.u32 @!p0 $0xF7A, s2;
	p2 =	seq.s32 @!p0 s5, $0x0  }
0x1f: {  	s9 =	smul.u32 $0xF7A, s1;
	s8 =	simm.s32 @!p0 $0x1BF5;
	p2 =	por !p2, p0  }
0x20: {  	[sflag:s8] =	ssyncset.s32 @!p0 $0xFFFFF086;
	s6 =	sadd.s32 @!p0 s3, s7;
	s7 =	simm.s32 @!p0 $0x108  }
0x21: {  	s3 =	sadd.s32 s3, s9;
	s6 =	sadd.s32 @!p0 $0x88, s6;
	s7 =	simm.s32 @p2 $0x1082  }
0x22: {  	[simem:s7], [sflag:s8] =	dma.local @!p0 [hbm:s6], $0xF7A  }
0x23: {  	s9 =	sor.u32 $0xD0000000, s2;
	s6 =	simm.s32 $0x108;
	_ =	swait.ge @!p0 [sflag:s8], $0x0  }
0x24: {  	s3 =	sadd.s32 $0x88, s3;
	s6 =	simm.s32 @!p1 $0x1082;
	[sflag:s4] =	ssyncset.s32 $0xFFFFF086  }
0x25: {  	[simem:s6], [sflag:s4] =	dma.local [hbm:s3], $0xF7A  }
0x26: {  	[smem:$0x3F9F] =	sst s1;
	(tag) =	ssettag s2;
	_ =	strace s9  }
0x27: {  	s1 =	sld [smem:$0x3FAF]  }
0x28: {  	s2 =	sld [smem:$0x3FB0]  }
0x29: {  	s4 =	sld [smem:$0x3FB2]  }
0x2a: {  	p0 =	seq.s32 s5, $0x0;
	s5 =	sld [smem:$0x3FB3]  }
0x2b: {  	s6 =	sld [smem:$0x3FB4]  }
0x2c: {  	s7 =	sld [smem:$0x3FB5]  }
0x2d: {  	s3 =	simm.s32 $0x108;
	s8 =	sld [smem:$0x3FB6]  }
0x2e: {  	s3 =	simm.s32 @!p0 $0x1082;
	s9 =	sld [smem:$0x3FB7]  }
0x2f: {  	lr =	sadd.s32 s0, s3;
	s0 =	sld [smem:$0x3FAE]  }
0x30: {  	s3 =	sld [smem:$0x3FB1]  }
0x31: {  	[smem:$0x3FBA] =	sst s10  }
0x32: {  	s10 =	sld [smem:$0x3FB8];
	_ =	sdelay $0x3  }
0x33: {  	p0 =	seq.s32 s10, $0x1;
	s10 =	sld [smem:$0x3FBA];
	_ =	sdelay $0x3  }
0x34: {  	[smem:$0x3FBA] =	sst s10  }
0x35: {  	s10 =	sld [smem:$0x3FB9];
	_ =	sdelay $0x3  }
0x36: {  	p1 =	seq.s32 s10, $0x1;
	s10 =	sld [smem:$0x3FBA];
	_ =	sdelay $0x3  }
0x37: {  	[smem:$0x3FBA] =	sst s10  }
0x38: {  	s10 =	sld [smem:$0x3FBB]  }
0x39: {  	_ = 	snop;
	(pc) =	sbr.ind lr, $3  }
0x3a: {  	_ = 	snop  }
0x3b: {  	_ = 	snop  }
0x3c: {  	p2 =	seq.s32 s10, $0x1;
	s10 =	sld [smem:$0x3FBA]  }
0x3d: {  	_ =	shalt  }
0x3e: {  	_ =	shalt  }
0x3f: {  	_ =	shalt  }
0x40: {  	_ =	shalt  }
0x41: {  	_ =	shalt  }
0x42: {  	_ =	shalt  }
0x43: {  	_ =	shalt  }
0x44: {  	_ =	shalt  }
0x45: {  	_ =	shalt  }
0x46: {  	_ =	shalt  }
0x47: {  	_ =	shalt  }
0x48: {  	_ =	shalt  }
0x49: {  	_ =	shalt  }
0x4a: {  	_ =	shalt  }
0x4b: {  	_ =	shalt  }
0x4c: {  	_ =	shalt  }
0x4d: {  	_ =	shalt  }
0x4e: {  	_ =	shalt  }
0x4f: {  	_ =	shalt  }
0x50: {  	_ =	shalt  }
0x51: {  	_ =	shalt  }
0x52: {  	_ =	shalt  }
0x53: {  	_ =	shalt  }
0x54: {  	_ =	shalt  }
0x55: {  	_ =	shalt  }
0x56: {  	_ =	shalt  }
0x57: {  	_ =	shalt  }
0x58: {  	_ =	shalt  }
0x59: {  	_ =	shalt  }
0x5a: {  	_ =	shalt  }
0x5b: {  	_ =	shalt  }
0x5c: {  	_ =	shalt  }
0x5d: {  	_ =	shalt  }
0x5e: {  	_ =	shalt  }
0x5f: {  	_ =	shalt  }
0x60: {  	_ =	shalt  }
0x61: {  	_ =	shalt  }
0x62: {  	_ =	shalt  }
0x63: {  	_ =	shalt  }
0x64: {  	_ =	shalt  }
0x65: {  	_ =	shalt  }
0x66: {  	_ =	shalt  }
0x67: {  	_ =	shalt  }
0x68: {  	_ =	shalt  }
0x69: {  	_ =	shalt  }
0x6a: {  	_ =	shalt  }
0x6b: {  	_ =	shalt  }
0x6c: {  	_ =	shalt  }
0x6d: {  	_ =	shalt  }
0x6e: {  	_ =	shalt  }
0x6f: {  	_ =	shalt  }
0x70: {  	_ =	shalt  }
0x71: {  	_ =	shalt  }
0x72: {  	_ =	shalt  }
0x73: {  	_ =	shalt  }
0x74: {  	_ =	shalt  }
0x75: {  	_ =	shalt  }
0x76: {  	_ =	shalt  }
0x77: {  	_ =	shalt  }
0x78: {  	_ =	shalt  }
0x79: {  	_ =	shalt  }
0x7a: {  	_ =	shalt  }
0x7b: {  	_ =	shalt  }
0x7c: {  	_ =	shalt  }
0x7d: {  	_ =	shalt  }
0x7e: {  	_ =	shalt  }
0x7f: {  	_ =	shalt  }
0x80: {  	_ =	shalt  }
0x81: {  	_ =	shalt  }
0x82: {  	_ =	shalt  }
0x83: {  	_ =	shalt  }
0x84: {  	_ =	shalt  }
0x85: {  	_ =	shalt  }
0x86: {  	_ =	shalt  }
0x87: {  	_ =	shalt  }
.Lfunc_end0:
.L_simem_size_0:
called_computation_lowered:
.L_overlay_start_0:
0x88: {  	s2 =	sld [smem:$0x3FD9]  }
0x89: {  	s3 =	sld [smem:$0x3FFE];
	_ =	sdelay $0x1  }
0x8a: {  	s1 =	srdreg.scid  }
0x8b: {  	s0 =	sand.u32 $0x1, s1  }
0x8c: {  	s18 =	sshll.u32 s0, $0xA;
	s2 =	sadd.s32 s3, s2  }
0x8d: {  	s2 =	sadd.s32 s2, s18  }
0x8e: {  	[smem:$0x3FC6] =	sst s2  }
0x8f: {  	_ = 	snop  }
0x90: {  	s2 =	sld [smem:$0x3FC9]  }
0x91: {  	s19 =	sld [smem:$0x3FC8]  }
0x92: {  	s4 =	sld [smem:$0x3FD0];
	(tm) =	ssettm $0x1  }
0x93: {  	s5 =	sld [smem:$0x3FFB];
	_ =	sdelay $0x3  }
0x94: {  	_ =	strace s5  }
0x95: {  	s5 =	sld [smem:$0x3FFC];
	_ =	sdelay $0x3  }
0x96: {  	_ =	strace s5  }
0x97: {  	s5 =	sld [smem:$0x3FFD];
	_ =	sdelay $0x3  }
0x98: {  	_ =	strace s5  }
0x99: {  	_ =	strace $0x8FFFFFFF  }
0x9a: {  	s20 =	sld [smem:$0x3FDB];
	_ =	sdelay $0x1  }
0x9b: {  	s6 =	simm.s32 $_scs_section_size  }
0x9c: {  	s7 =	simm.s32 $_size__tile_overlayer_lowered;
	s8 =	simm.s32 $_tile_overlayer_lowered  }
0x9d: {  	s23 =	simm.s32 $0x1BFF;
	s22 =	sshll.u32 s8, $0x1;
	s5 =	sadd.s32 s6, s20  }
0x9e: {  	s9 =	simm.s32 $0x0;
	s21 =	sshll.u32 s7, $0x1;
	s7 =	sadd.s32 s22, s5  }
0x9f: {  	[timem:s9], [sflag:s23] =	dma.local [hbm:s7], s21  }
0xa0: {  	_ =	swait.ge [sflag:s23], s21  }
0xa1: {  	s6 =	ssub.s32 $0x0, s21;
	[sflag:s23] =	ssyncset.done $0x0  }
0xa2: {  	[sflag:s23] =	ssyncadd.s32 s6;
	_ =	sdelay $0x1  }
0xa3: {  	s24 =	simm.s32 $0x1B8B  }
0xa4: {  	_ =	swait.ge [sflag:s24], $0x1  }
0xa5: {  	[sflag:s24] =	ssyncset.done $0x0  }
0xa6: {  	s25 =	simm.s32 $0x1B8E;
	[sflag:s24] =	ssyncadd.s32 $0xFFFFFFFF  }
0xa7: {  	s26 =	simm.s32 $execute0_lowered;
	[smem:$0x3FD2] =	sst s25  }
0xa8: {  	s6 =	sshll.u32 s26, $0x1;
	_ =	strace $0x80000046;
	[dreg:$0x1] =	wrdreg $0xFFFFFFFF  }
0xa9: {  	s28 =	simm.s32 $_size_execute0_lowered;
	s5 =	sadd.s32 s5, s6;
	[dreg:$0x0] =	wrdreg $0x0  }
0xaa: {  	s6 =	sshll.u32 s28, $0x1;
	[dreg:$0x2] =	wrdreg s5  }
0xab: {  	[dreg:$0x3] =	wrdreg s6  }
0xac: {  	[dreg:$0x4] =	wrdreg $0xC0  }
0xad: {  	_ =	task [dreg:s9], $0x5FFFF  }
0xae: {  	[dreg:$0x1] =	wrdreg $0xFFFFFFFF  }
0xaf: {  	[dreg:$0x0] =	wrdreg $0x60  }
0xb0: {  	[dreg:$0x2] =	wrdreg s2  }
0xb1: {  	[dreg:$0x3] =	wrdreg s19  }
0xb2: {  	[dreg:$0x4] =	wrdreg s4  }
0xb3: {  	[dreg:$0x5] =	wrdreg $0x9  }
0xb4: {  	_ =	task.clear_ibuf [dreg:s9], $0x6FFFF;
	_ =	strace $0x90000046  }
0xb5: {  	s29 =	simm.s32 $0x9;
	_ =	strace $0x80000048  }
0xb6: {  	_ =	swait.ge [sflag:s29], $0x1  }
0xb7: {  	[sflag:s29] =	ssyncadd.s32 $0xFFFFFFFF  }
0xb8: {  	_ =	strace $0x90000048  }
0xb9: {  	_ =	sfence  }
0xba: {  	s30 =	sld [smem:$0x0];
	_ =	sdelay $0x2  }
0xbb: {  	s31 =	sshll.u32 s1, $0xD;
	s1 =	sshrl.u32 s1, $0x2  }
0xbc: {  	s3 =	sand.u32 $0x4000, s31;
	s1 =	sadd.s32 s1, s30  }
0xbd: {  	s0 =	sor.u32 s3, s0;
	s1 =	sshll.u32 s1, $0x11  }
0xbe: {  	s0 =	sor.u32 s1, s0  }
0xbf: {  	s0 =	sadd.s32 $0x8F2B, s0  }
0xc0: {  	[sflag:s0] =	ssyncadd.remote.s32 $0x1  }
0xc1: {  	_ =	sfence.sel $0xFFFF  }
0xc2: {  	[dreg:$0x0] =	wrdreg $0xFFFFFFFF;
	(pc) =	sbr.abs _section_cstart, $3  }
0xc3: {  	[dreg:$0x1] =	wrdreg $0xFFFFFFFF  }
0xc4: {  	_ =	task.clear_ibuf [dreg:s9], $0x2FFFF;
	_ =	strace $0x9FFFFFFF  }
0xc5: {  	(tm) =	ssettm $0x7FFFFFFF  }
tec
execute0_lowered:
.L_overlay_start_1:
0x0: {  	(tag) =	ssettag $0x1  }
0x1: {  	s0 =	srdreg.scid  }
0x2: {  	s1 =	rddreg [dreg:$0x0];
	s5 =	stileid.u32  }
0x3: {  	s23 =	rddreg [dreg:$0x2];
	s7 =	simm.s32 $0x0;
	s18 =	simm.s32 $0x200  }
0x4: {  	s19 =	simm.s32 $0x400;
	s20 =	simm.s32 $0x800;
	s21 =	simm.s32 $0x2800  }
0x5: {  	s22 =	simm.s32 $0x4800;
	s28 =	simm.s32 $0xA800;
	s29 =	simm.s32 $0x3  }
0x6: {  	s30 =	simm.s32 $0xC800;
	s31 =	simm.s32 $0x4;
	s0 =	sand.u32 $0x1, s0  }
0x7: {  	[smem:$0x7FF] =	sst s7;
	s7 =	simm.s32 $0x0;
	s2 =	sshll.u32 s0, $0x4  }
0x8: {  	s0 =	ssub.s32 $0x2, s0;
	_ =	strace $0x80000047;
	s3 =	sor.u32 s5, s2  }
0x9: {  	s5 =	sshll.u32 s5, $0x6;
	s24 =	sshrl.u32 s0, $0x1;
	s4 =	sshll.u32 s3, $0xA  }
0xa: {  	s5 =	sand.u32 $0x40, s5;
	s0 =	ssub.s32 s0, s24;
	s9 =	sor.u32 $0x80, s3  }
0xb: {  	s10 =	sor.u32 $0xA0, s3;
	s11 =	sor.u32 $0xC0, s3;
	s13 =	sor.u32 $0xE0, s3  }
0xc: {  	s24 =	simm.s32 $0x1;
	s4 =	sand.u32 $0x7800, s4;
	s12 =	sadd.s32 s23, s5  }
0xd: {  	s15 =	sadd.s32 s1, s5;
	s0 =	smax.u32 s0, $0x1;
	s6 =	sor.u32 s5, s4  }
.Ltmp0:
0xe: {  	[dreg:$0x8] =	wrdreg s0;
	s6 =	sadd.s32 s1, s6;
	(pc) =	sbr.rel .LBB2_1-.Ltmp0, $4  }
0xf: {  	s23 =	simm.s32 $0x6800;
	s25 =	sadd.s32 $0x8000, s6;
	[dreg:$0x4] =	wrdreg s6  }
0x10: {  	s14 =	sadd.s32 s4, s12;
	s26 =	sadd.s32 $0x10000, s6;
	[dreg:$0x5] =	wrdreg s25  }
0x11: {  	s1 =	simm.s32 $0xE800;
	s6 =	sadd.s32 $0x18000, s6;
	[dreg:$0x6] =	wrdreg s26  }
0x12: {  	[dreg:$0x7] =	wrdreg s6;
	s25 =	simm.s32 $0x8800;
	s26 =	simm.s32 $0x2  }
.LBB2_12:
0x13: {  	s0 =	simm.s32 $0x5  }
0x14: {  	_ =	swait.ge [sflag:s0], $0x2000  }
0x15: {  	[sflag:s0] =	ssyncset.done $0x0  }
0x16: {  	s8 =	simm.s32 $0x6;
	[sflag:s0] =	ssyncadd.s32 $0xFFFFE000  }
0x17: {  	_ =	swait.ge [sflag:s8], $0x2000  }
0x18: {  	[sflag:s8] =	ssyncset.done $0x0  }
0x19: {  	s16 =	simm.s32 $0x7;
	[sflag:s8] =	ssyncadd.s32 $0xFFFFE000  }
0x1a: {  	_ =	swait.ge [sflag:s16], $0x2000  }
0x1b: {  	[sflag:s16] =	ssyncset.done $0x0  }
0x1c: {  	s2 =	simm.s32 $0x8;
	[sflag:s16] =	ssyncadd.s32 $0xFFFFE000  }
0x1d: {  	_ =	swait.ge [sflag:s2], $0x2000  }
0x1e: {  	s7 =	sadd.s32 $0x1, s7;
	s17 =	rddreg [dreg:$0x8]  }
0x1f: {  	p0 =	sne.s32 s7, s17  }
.Ltmp1:
0x20: {  	_ = 	snop;
	(pc) =	sbr.rel @!p0 .LBB2_13-.Ltmp1, $3  }
0x21: {  	_ =	sdelay $0x1  }
0x22: {  	[sflag:s2] =	ssyncset.done $0x0  }
0x23: {  	[sflag:s2] =	ssyncadd.s32 $0xFFFFE000  }
.LBB2_1:
0x24: {  	s0 =	rddreg [dreg:$0x1];
	s2 =	simm.s32 $0x0;
	s5 =	simm.s32 $0x9  }
0x25: {  	[tilespmem:s2], [sflag:$0x9] =	stream.linear.gather [hbm4b:s0+s2], $0x800, $0x38;
	[tilespmem:$0x10800] =	vst v63  }
0x26: {  	_ =	swait.ge [sflag:s5], $0x800  }
0x27: {  	[sflag:s5] =	ssyncset.done $0x0  }
0x28: {  	s6 =	rddreg [dreg:$0x4];
	[sflag:s5] =	ssyncadd.s32 $0xFFFFF800  }
0x29: {  	[tilespmem:s20], [sflag:$0x1] =	stream.strided.gather [hbm4b:s6+s18], $0x2000, s19, s18, $0x38;
	[tilespmem:$0x10800] =	vst v63  }
0x2a: {  	s8 =	rddreg [dreg:$0x5]  }
0x2b: {  	[tilespmem:s21], [sflag:$0x2] =	stream.strided.gather [hbm4b:s8+s18], $0x2000, s19, s18, $0x38;
	[tilespmem:$0x10800] =	vst v63  }
0x2c: {  	s16 =	rddreg [dreg:$0x6]  }
0x2d: {  	[tilespmem:s22], [sflag:$0x3] =	stream.strided.gather [hbm4b:s16+s18], $0x2000, s19, s18, $0x38;
	[tilespmem:$0x10800] =	vst v63  }
0x2e: {  	s17 =	rddreg [dreg:$0x7];
	s8 =	simm.s32 $0x0  }
0x2f: {  	[tilespmem:s23], [sflag:$0x4] =	stream.strided.gather [hbm4b:s17+s18], $0x2000, s19, s18, $0x38;
	[tilespmem:$0x10800] =	vst v63  }
.LBB2_2:
0x30: {  	_ =	swait.ge [sflag:s24], $0x2000  }
0x31: {  	p0 =	seq.s32 s8, $0x0;
	[sflag:s24] =	ssyncset.done $0x0  }
0x32: {  	s0 =	simm.s32 @!p0 $0x5;
	[sflag:s24] =	ssyncadd.s32 $0xFFFFE000  }
0x33: {  	_ =	swait.ge @!p0 [sflag:s0], $0x2000  }
0x34: {  	[sflag:s0] =	ssyncset.done @!p0 $0x0  }
0x35: {  	s17 =	simm.s32 $0x40;
	[sflag:s0] =	ssyncadd.s32 @!p0 $0xFFFFE000  }
0x36: {  	v0 =	vld [tilespmem:s17+$0xFFFFFFC0]  }
0x37: {  	v1 =	vld [tilespmem:s17+$0x10]  }
0x38: {  	v3 =	vld [tilespmem:s17+$0xFFFFFFE0]  }
0x39: {  	v2 =	vld [tilespmem:s17+$0x0];
	_ =	sdelay $0x1  }
0x3a: {  	v6 =	vld [tilespmem:s17+$0x20]  }
0x3b: {  	v7 =	vld [tilespmem:s17+$0xFFFFFFF0];
	v4 =	vshll.u32 v0, $0x2;
	v0 =	vand.u32 $0x7F, v0;
	v5 =	vshll.u32 v1, $0x2  }
0x3c: {  	v1 =	vand.u32 $0x7F, v1;
	v9 =	vshll.u32 v3, $0x2;
	v4 =	vand.u32 $0xFFFFFE00, v4  }
0x3d: {  	v8 =	vld [tilespmem:s17+$0xFFFFFFD0];
	v3 =	vand.u32 $0x7F, v3;
	v4 =	vor.u32 v0, v4;
	v0 =	vshll.u32 v2, $0x2  }
0x3e: {  	v5 =	vand.u32 $0xFFFFFE00, v5;
	v2 =	vand.u32 $0x7F, v2;
	v0 =	vand.u32 $0xFFFFFE00, v0  }
0x3f: {  	v5 =	vor.u32 v1, v5;
	v0 =	vor.u32 v2, v0;
	v2 =	vand.u32 $0xFFFFFE00, v9;
	v9 =	vld [tilespmem:s17+$0x30]  }
0x40: {  	v11 =	vand.u32 $0x7F, v7;
	v2 =	vor.u32 v3, v2;
	v3 =	vshll.u32 v6, $0x2  }
0x41: {  	v1 =	vand.u32 $0x7F, v6;
	v13 =	vor.u32 $0x80, v4;
	v3 =	vand.u32 $0xFFFFFE00, v3  }
0x42: {  	v6 =	vshll.u32 v7, $0x2;
	v10 =	vld.idx.msk [tilespmem:v4+s20+$0x0], $0xffff;
	v1 =	vor.u32 v1, v3;
	v3 =	vshll.u32 v8, $0x2  }
0x43: {  	v6 =	vand.u32 $0xFFFFFE00, v6;
	v8 =	vand.u32 $0x7F, v8;
	v3 =	vand.u32 $0xFFFFFE00, v3  }
0x44: {  	v6 =	vor.u32 v11, v6;
	v17 =	vld.idx.msk [tilespmem:v5+s20+$0x0], $0xffff;
	v7 =	vor.u32 v8, v3;
	v3 =	vshll.u32 v9, $0x2  }
0x45: {  	v12 =	vld.idx.msk [tilespmem:v0+s20+$0x0], $0xffff;
	v8 =	vand.u32 $0x7F, v9;
	v3 =	vand.u32 $0xFFFFFE00, v3  }
0x46: {  	s5 =	simm.s32 $0x8900;
	v11 =	vld.idx.msk [tilespmem:v2+s20+$0x0], $0xffff;
	v3 =	vor.u32 v8, v3  }
0x47: {  	v20 =	vor.u32 $0x80, v0;
	[tilespmem:s5+$0xFFFFFF00] =	vst v10;
	v9 =	vld.idx.msk [tilespmem:v1+s20+$0x0], $0xffff  }
0x48: {  	v18 =	vld.idx.msk [tilespmem:v13+s20+$0x0], $0xffff;
	v13 =	vor.u32 $0x80, v5  }
0x49: {  	s16 =	sshll.u32 s8, $0x7;
	s2 =	simm.s32 $0xC0;
	v15 =	vor.u32 $0x80, v2;
	v16 =	vld.idx.msk [tilespmem:v6+s20+$0x0], $0xffff  }
0x4a: {  	s4 =	simm.s32 $0x8900;
	s0 =	simm.s32 $0x0;
	s17 =	sshll.u32 s8, $0x11;
	v14 =	vor.u32 $0x80, v7;
	v8 =	vor.u32 $0x80, v3;
	v10 =	vor.u32 $0x80, v1;
	v19 =	vld.idx.msk [tilespmem:v7+s20+$0x0], $0xffff  }
.LBB2_3:
0x4b: {  	s0 =	sadd.s32 $0x8, s0;
	[tilespmem:s5+$0xFFFFFF40] =	vst v12;
	v12 =	vld.idx.msk [tilespmem:v3+s20+$0x0], $0xffff;
	s4 =	sadd.s32 $0x200, s4  }
0x4c: {  	p1 =	slt.u32 s0, $0x78;
	v20 =	vld.idx.msk [tilespmem:v20+s20+$0x0], $0xffff;
	[tilespmem:s5+$0xFFFFFF50] =	vst v17  }
0x4d: {  	v17 =	vor.u32 $0x100, v4;
	v13 =	vld.idx.msk [tilespmem:v13+s20+$0x0], $0xffff  }
0x4e: {  	v21 =	vld [tilespmem:s2+$0x10];
	[tilespmem:s5+$0xFFFFFF80] =	vst v18  }
0x4f: {  	v18 =	vld [tilespmem:s2+$0xFFFFFFE0];
	[tilespmem:s5+$0xFFFFFF10] =	vst v19;
	v19 =	vor.u32 $0x80, v6  }
0x50: {  	v14 =	vld.idx.msk [tilespmem:v14+s20+$0x0], $0xffff;
	[tilespmem:s5+$0xFFFFFF20] =	vst v11  }
0x51: {  	v11 =	vld.idx.msk [tilespmem:v15+s20+$0x0], $0xffff;
	[tilespmem:s5+$0xFFFFFF70] =	vst v12  }
0x52: {  	v12 =	vld.idx.msk [tilespmem:v17+s20+$0x0], $0xffff;
	[tilespmem:s5+$0xFFFFFFC0] =	vst v20  }
0x53: {  	v15 =	vld [tilespmem:s2+$0xFFFFFFF0];
	[tilespmem:s5+$0xFFFFFF30] =	vst v16  }
0x54: {  	v16 =	vld.idx.msk [tilespmem:v19+s20+$0x0], $0xffff;
	[tilespmem:s5+$0xFFFFFFD0] =	vst v13  }
0x55: {  	v13 =	vld [tilespmem:s2+$0xFFFFFFC0];
	[tilespmem:s5+$0xFFFFFF60] =	vst v9  }
0x56: {  	[tilespmem:s5+$0xFFFFFF90] =	vst v14;
	v8 =	vld.idx.msk [tilespmem:v8+s20+$0x0], $0xffff  }
0x57: {  	v9 =	vld [tilespmem:s2+$0x20];
	[tilespmem:s5+$0xFFFFFFA0] =	vst v11;
	v11 =	vor.u32 $0x100, v5  }
0x58: {  	v14 =	vld [tilespmem:s2+$0x30];
	[tilespmem:s5+$0x0] =	vst v12;
	v12 =	vor.u32 $0x100, v7  }
0x59: {  	v19 =	vor.u32 $0x100, v6;
	v17 =	vld [tilespmem:s2+$0xFFFFFFD0]  }
0x5a: {  	v20 =	vor.u32 $0x180, v4;
	[tilespmem:s5+$0xFFFFFFB0] =	vst v16;
	v10 =	vld.idx.msk [tilespmem:v10+s20+$0x0], $0xffff  }
0x5b: {  	v22 =	vor.u32 $0x100, v2;
	v23 =	vor.u32 $0x180, v5;
	v5 =	vor.u32 $0x100, v1;
	v16 =	vld [tilespmem:s2+$0x0]  }
0x5c: {  	v24 =	vor.u32 $0x100, v0;
	v4 =	vshll.u32 v13, $0x2;
	v11 =	vld.idx.msk [tilespmem:v11+s20+$0x0], $0xffff;
	[tilespmem:s5+$0xFFFFFFF0] =	vst v8;
	v8 =	vor.u32 $0x100, v3  }
0x5d: {  	v4 =	vand.u32 $0xFFFFFE00, v4;
	v25 =	vand.u32 $0x7F, v14;
	v14 =	vshll.u32 v14, $0x2;
	v12 =	vld.idx.msk [tilespmem:v12+s20+$0x0], $0xffff  }
0x5e: {  	v6 =	vor.u32 $0x180, v6;
	v13 =	vand.u32 $0x7F, v13;
	v14 =	vand.u32 $0xFFFFFE00, v14;
	v19 =	vld.idx.msk [tilespmem:v19+s20+$0x0], $0xffff  }
0x5f: {  	v7 =	vor.u32 $0x180, v7;
	v4 =	vor.u32 v13, v4;
	v13 =	vshll.u32 v21, $0x2;
	v20 =	vld.idx.msk [tilespmem:v20+s20+$0x0], $0xffff  }
0x60: {  	v26 =	vshll.u32 v15, $0x2;
	v14 =	vor.u32 v25, v14;
	v27 =	vshll.u32 v16, $0x2;
	v22 =	vld.idx.msk [tilespmem:v22+s20+$0x0], $0xffff;
	[tilespmem:s5+$0xFFFFFFE0] =	vst v10  }
0x61: {  	v21 =	vand.u32 $0x7F, v21;
	v10 =	vand.u32 $0xFFFFFE00, v26;
	v16 =	vand.u32 $0x7F, v16;
	v25 =	vld.idx.msk [tilespmem:v5+s20+$0x0], $0xffff  }
0x62: {  	v13 =	vand.u32 $0xFFFFFE00, v13;
	v26 =	vor.u32 $0x180, v2;
	v5 =	vand.u32 $0xFFFFFE00, v27;
	[tilespmem:s5+$0x50] =	vst v11;
	v8 =	vld.idx.msk [tilespmem:v8+s20+$0x0], $0xffff  }
0x63: {  	v2 =	vshll.u32 v18, $0x2;
	v11 =	vor.u32 v16, v5;
	v5 =	vor.u32 v21, v13;
	[tilespmem:s5+$0x10] =	vst v12;
	v12 =	vld.idx.msk [tilespmem:v24+s20+$0x0], $0xffff  }
0x64: {  	v2 =	vand.u32 $0xFFFFFE00, v2;
	v13 =	vor.u32 $0x180, v3;
	v3 =	vmov v14;
	v7 =	vld.idx.msk [tilespmem:v7+s20+$0x0], $0xffff;
	[tilespmem:s5+$0x30] =	vst v19  }
0x65: {  	v14 =	vand.u32 $0x7F, v18;
	v18 =	vor.u32 $0x180, v0;
	v0 =	vmovc v11;
	v19 =	vor.u32 $0x180, v1;
	[tilespmem:s5+$0x80] =	vst v20;
	v16 =	vld.idx.msk [tilespmem:v6+s20+$0x0], $0xffff  }
0x66: {  	v21 =	vor.u32 $0x80, v4;
	v2 =	vor.u32 v14, v2;
	v1 =	vand.u32 $0x7F, v15;
	[tilespmem:s5+$0x20] =	vst v22;
	v11 =	vld.idx.msk [tilespmem:v23+s20+$0x0], $0xffff  }
0x67: {  	v6 =	vor.u32 v1, v10;
	v1 =	vshll.u32 v9, $0x2;
	v10 =	vld.idx.msk [tilespmem:v26+s20+$0x0], $0xffff;
	[tilespmem:s5+$0x60] =	vst v25  }
0x68: {  	v9 =	vand.u32 $0x7F, v9;
	v1 =	vand.u32 $0xFFFFFE00, v1;
	v15 =	vld.idx.msk [tilespmem:v4+s20+$0x0], $0xffff;
	[tilespmem:s5+$0x70] =	vst v8  }
0x69: {  	v1 =	vor.u32 v9, v1;
	[tilespmem:s5+$0x40] =	vst v12;
	v22 =	vld.idx.msk [tilespmem:v13+s20+$0x0], $0xffff  }
0x6a: {  	v8 =	vshll.u32 v17, $0x2;
	v13 =	vor.u32 $0x80, v5;
	v12 =	vld.idx.msk [tilespmem:v0+s20+$0x0], $0xffff;
	[tilespmem:s5+$0x90] =	vst v7  }
0x6b: {  	v9 =	vand.u32 $0xFFFFFE00, v8;
	v8 =	vor.u32 $0x80, v3;
	v7 =	vand.u32 $0x7F, v17;
	[tilespmem:s5+$0xB0] =	vst v16;
	v16 =	vld.idx.msk [tilespmem:v18+s20+$0x0], $0xffff  }
0x6c: {  	v7 =	vor.u32 v7, v9;
	[tilespmem:s5+$0xD0] =	vst v11;
	v23 =	vld.idx.msk [tilespmem:v19+s20+$0x0], $0xffff  }
0x6d: {  	v14 =	vor.u32 $0x80, v7;
	v11 =	vld.idx.msk [tilespmem:v2+s20+$0x0], $0xffff  }
.Ltmp2:
0x6e: {  	[tilespmem:s4+$0xFFFFFF00] =	vst v15;
	v15 =	vor.u32 $0x80, v2;
	v17 =	vld.idx.msk [tilespmem:v5+s20+$0x0], $0xffff;
	(pc) =	sbr.rel @p1 .LBB2_3-.Ltmp2, $4  }
0x6f: {  	v20 =	vor.u32 $0x80, v0;
	v9 =	vld.idx.msk [tilespmem:v1+s20+$0x0], $0xffff;
	[tilespmem:s5+$0xF0] =	vst v22  }
0x70: {  	v18 =	vld.idx.msk [tilespmem:v21+s20+$0x0], $0xffff;
	[tilespmem:s5+$0xA0] =	vst v10  }
0x71: {  	v19 =	vld.idx.msk [tilespmem:v7+s20+$0x0], $0xffff;
	[tilespmem:s5+$0xC0] =	vst v16  }
0x72: {  	s2 =	sadd.s32 $0x80, s2;
	v10 =	vor.u32 $0x80, v1;
	v16 =	vld.idx.msk [tilespmem:v6+s20+$0x0], $0xffff;
	[tilespmem:s5+$0xE0] =	vst v23;
	s5 =	smov.u32 s4  }
0x73: {  	_ =	sdelay $0x2  }
0x74: {  	[tilespmem:s5+$0xFFFFFF40] =	vst v12  }
0x75: {  	v12 =	vld.idx.msk [tilespmem:v3+s20+$0x0], $0xffff;
	[tilespmem:s5+$0xFFFFFF50] =	vst v17  }
0x76: {  	v17 =	vld.idx.msk [tilespmem:v20+s20+$0x0], $0xffff;
	v20 =	vor.u32 $0x100, v4;
	[tilespmem:s5+$0xFFFFFF60] =	vst v9  }
0x77: {  	v13 =	vld.idx.msk [tilespmem:v13+s20+$0x0], $0xffff;
	[tilespmem:s5+$0xFFFFFF80] =	vst v18  }
0x78: {  	v18 =	vor.u32 $0x80, v6;
	v9 =	vld.idx.msk [tilespmem:v10+s20+$0x0], $0xffff;
	[tilespmem:s5+$0xFFFFFF10] =	vst v19  }
0x79: {  	[tilespmem:s5+$0xFFFFFF20] =	vst v11;
	v11 =	vld.idx.msk [tilespmem:v14+s20+$0x0], $0xffff  }
0x7a: {  	[tilespmem:s5+$0xFFFFFF70] =	vst v12;
	v12 =	vld.idx.msk [tilespmem:v15+s20+$0x0], $0xffff  }
0x7b: {  	v14 =	vor.u32 $0x100, v5;
	[tilespmem:s5+$0xFFFFFFC0] =	vst v17;
	v17 =	vld.idx.msk [tilespmem:v20+s20+$0x0], $0xffff  }
0x7c: {  	v10 =	vor.u32 $0x100, v2;
	[tilespmem:s5+$0xFFFFFF30] =	vst v16;
	v8 =	vld.idx.msk [tilespmem:v8+s20+$0x0], $0xffff  }
0x7d: {  	v16 =	vor.u32 $0x100, v7;
	[tilespmem:s5+$0xFFFFFFD0] =	vst v13;
	v15 =	vld.idx.msk [tilespmem:v18+s20+$0x0], $0xffff  }
0x7e: {  	v4 =	vor.u32 $0x180, v4;
	[tilespmem:s5+$0xFFFFFF90] =	vst v11  }
0x7f: {  	v13 =	vor.u32 $0x100, v6;
	[tilespmem:s5+$0xFFFFFFA0] =	vst v12  }
0x80: {  	v11 =	vld.idx.msk [tilespmem:v14+s20+$0x0], $0xffff;
	v14 =	vor.u32 $0x100, v1;
	[tilespmem:s5+$0x0] =	vst v17  }
0x81: {  	v12 =	vor.u32 $0x100, v3;
	[tilespmem:s5+$0xFFFFFFF0] =	vst v8;
	v8 =	vld.idx.msk [tilespmem:v10+s20+$0x0], $0xffff  }
0x82: {  	v5 =	vor.u32 $0x180, v5;
	[tilespmem:s5+$0xFFFFFFB0] =	vst v15;
	v15 =	vld.idx.msk [tilespmem:v16+s20+$0x0], $0xffff  }
0x83: {  	v16 =	vor.u32 $0x100, v0;
	v4 =	vld.idx.msk [tilespmem:v4+s20+$0x0], $0xffff  }
0x84: {  	v2 =	vor.u32 $0x180, v2;
	[tilespmem:s5+$0xFFFFFFE0] =	vst v9;
	v13 =	vld.idx.msk [tilespmem:v13+s20+$0x0], $0xffff  }
0x85: {  	v7 =	vor.u32 $0x180, v7;
	[tilespmem:s5+$0x50] =	vst v11;
	v10 =	vld.idx.msk [tilespmem:v14+s20+$0x0], $0xffff  }
0x86: {  	v6 =	vor.u32 $0x180, v6;
	v9 =	vld.idx.msk [tilespmem:v12+s20+$0x0], $0xffff;
	[tilespmem:s5+$0x20] =	vst v8  }
0x87: {  	v1 =	vor.u32 $0x180, v1;
	v5 =	vld.idx.msk [tilespmem:v5+s20+$0x0], $0xffff;
	[tilespmem:s5+$0x10] =	vst v15  }
0x88: {  	v3 =	vor.u32 $0x180, v3;
	v11 =	vld.idx.msk [tilespmem:v16+s20+$0x0], $0xffff;
	[tilespmem:s5+$0x80] =	vst v4  }
0x89: {  	v0 =	vor.u32 $0x180, v0;
	v2 =	vld.idx.msk [tilespmem:v2+s20+$0x0], $0xffff;
	[tilespmem:s5+$0x30] =	vst v13  }
0x8a: {  	v7 =	vld.idx.msk [tilespmem:v7+s20+$0x0], $0xffff;
	[tilespmem:s5+$0x60] =	vst v10  }
0x8b: {  	v4 =	vld.idx.msk [tilespmem:v6+s20+$0x0], $0xffff;
	[tilespmem:s5+$0x70] =	vst v9  }
0x8c: {  	v1 =	vld.idx.msk [tilespmem:v1+s20+$0x0], $0xffff;
	[tilespmem:s5+$0xD0] =	vst v5  }
0x8d: {  	v3 =	vld.idx.msk [tilespmem:v3+s20+$0x0], $0xffff;
	[tilespmem:s5+$0x40] =	vst v11  }
0x8e: {  	[tilespmem:s5+$0xA0] =	vst v2;
	v0 =	vld.idx.msk [tilespmem:v0+s20+$0x0], $0xffff  }
0x8f: {  	[tilespmem:s5+$0x90] =	vst v7  }
0x90: {  	[tilespmem:s5+$0xB0] =	vst v4  }
0x91: {  	[tilespmem:s5+$0xE0] =	vst v1  }
0x92: {  	[tilespmem:s5+$0xF0] =	vst v3  }
0x93: {  	s0 =	sadd.s32 s17, s14;
	p1 =	seq.s32 s8, $0x1F;
	[tilespmem:s5+$0xC0] =	vst v0  }
0x94: {  	[hbm4b:s0+s18] =	stream.strided.scatter [tilespmem:s25], [sflag:$0x5], $0x2000, s19, s18, $0x38;
	[tilespmem:$0x10800] =	vst v63  }
0x95: {  	s0 =	sadd.s32 @!p1 s9, s16  }
0x96: {  	s0 =	sshll.u32 @!p1 s0, $0xA  }
0x97: {  	s2 =	simm.s32 @!p1 $0x200;
	s0 =	sand.u32 @!p1 $0x7E7800, s0  }
0x98: {  	s4 =	simm.s32 @!p1 $0x400;
	s5 =	simm.s32 @!p1 $0x800;
	s0 =	sadd.s32 @!p1 s0, s15  }
0x99: {  	[tilespmem:s5], [sflag:$0x1] =	stream.strided.gather @!p1 [hbm4b:s0+s2], $0x2000, s4, s2, $0x38;
	[tilespmem:$0x10800] =	vst v63  }
0x9a: {  	_ =	swait.ge [sflag:s26], $0x2000  }
0x9b: {  	[sflag:s26] =	ssyncset.done $0x0  }
0x9c: {  	s0 =	simm.s32 @!p0 $0x6;
	[sflag:s26] =	ssyncadd.s32 $0xFFFFE000  }
0x9d: {  	_ =	swait.ge @!p0 [sflag:s0], $0x2000  }
0x9e: {  	[sflag:s0] =	ssyncset.done @!p0 $0x0  }
0x9f: {  	s5 =	simm.s32 $0x40;
	[sflag:s0] =	ssyncadd.s32 @!p0 $0xFFFFE000  }
0xa0: {  	v0 =	vld [tilespmem:s5+$0xFFFFFFC0]  }
0xa1: {  	v1 =	vld [tilespmem:s5+$0x10]  }
0xa2: {  	v3 =	vld [tilespmem:s5+$0xFFFFFFE0]  }
0xa3: {  	v2 =	vld [tilespmem:s5+$0x0];
	_ =	sdelay $0x1  }
0xa4: {  	v6 =	vld [tilespmem:s5+$0x20]  }
0xa5: {  	v7 =	vld [tilespmem:s5+$0xFFFFFFF0];
	v4 =	vshll.u32 v0, $0x2;
	v0 =	vand.u32 $0x7F, v0;
	v5 =	vshll.u32 v1, $0x2  }
0xa6: {  	v1 =	vand.u32 $0x7F, v1;
	v9 =	vshll.u32 v3, $0x2;
	v4 =	vand.u32 $0xFFFFFE00, v4  }
0xa7: {  	v8 =	vld [tilespmem:s5+$0xFFFFFFD0];
	v3 =	vand.u32 $0x7F, v3;
	v4 =	vor.u32 v0, v4;
	v0 =	vshll.u32 v2, $0x2  }
0xa8: {  	v5 =	vand.u32 $0xFFFFFE00, v5;
	v2 =	vand.u32 $0x7F, v2;
	v0 =	vand.u32 $0xFFFFFE00, v0  }
0xa9: {  	v5 =	vor.u32 v1, v5;
	v0 =	vor.u32 v2, v0;
	v2 =	vand.u32 $0xFFFFFE00, v9;
	v9 =	vld [tilespmem:s5+$0x30]  }
0xaa: {  	v11 =	vand.u32 $0x7F, v7;
	v2 =	vor.u32 v3, v2;
	v3 =	vshll.u32 v6, $0x2  }
0xab: {  	v1 =	vand.u32 $0x7F, v6;
	v13 =	vor.u32 $0x80, v4;
	v3 =	vand.u32 $0xFFFFFE00, v3  }
0xac: {  	v6 =	vshll.u32 v7, $0x2;
	v10 =	vld.idx.msk [tilespmem:v4+s21+$0x0], $0xffff;
	v1 =	vor.u32 v1, v3;
	v3 =	vshll.u32 v8, $0x2  }
0xad: {  	v6 =	vand.u32 $0xFFFFFE00, v6;
	v8 =	vand.u32 $0x7F, v8;
	v3 =	vand.u32 $0xFFFFFE00, v3  }
0xae: {  	v6 =	vor.u32 v11, v6;
	v17 =	vld.idx.msk [tilespmem:v5+s21+$0x0], $0xffff;
	v7 =	vor.u32 v8, v3;
	v3 =	vshll.u32 v9, $0x2  }
0xaf: {  	v12 =	vld.idx.msk [tilespmem:v0+s21+$0x0], $0xffff;
	v8 =	vand.u32 $0x7F, v9;
	v3 =	vand.u32 $0xFFFFFE00, v3  }
0xb0: {  	s17 =	simm.s32 $0xA900;
	v11 =	vld.idx.msk [tilespmem:v2+s21+$0x0], $0xffff;
	v3 =	vor.u32 v8, v3  }
0xb1: {  	s6 =	sor.u32 s3, s16;
	v20 =	vor.u32 $0x80, v0;
	[tilespmem:s17+$0xFFFFFF00] =	vst v10;
	v9 =	vld.idx.msk [tilespmem:v1+s21+$0x0], $0xffff  }
0xb2: {  	s0 =	sshll.u32 s6, $0xA;
	v18 =	vld.idx.msk [tilespmem:v13+s21+$0x0], $0xffff;
	v13 =	vor.u32 $0x80, v5  }
0xb3: {  	s2 =	simm.s32 $0x0;
	s5 =	sand.u32 $0x3E7800, s0;
	v15 =	vor.u32 $0x80, v2;
	v16 =	vld.idx.msk [tilespmem:v6+s21+$0x0], $0xffff  }
0xb4: {  	s4 =	simm.s32 $0xC0;
	s6 =	simm.s32 $0xA900;
	s0 =	sor.u32 $0x8000, s5;
	v14 =	vor.u32 $0x80, v7;
	v8 =	vor.u32 $0x80, v3;
	v10 =	vor.u32 $0x80, v1;
	v19 =	vld.idx.msk [tilespmem:v7+s21+$0x0], $0xffff  }
.LBB2_5:
0xb5: {  	s2 =	sadd.s32 $0x8, s2;
	[tilespmem:s17+$0xFFFFFF40] =	vst v12;
	v12 =	vld.idx.msk [tilespmem:v3+s21+$0x0], $0xffff;
	s6 =	sadd.s32 $0x200, s6  }
0xb6: {  	p2 =	slt.u32 s2, $0x78;
	v20 =	vld.idx.msk [tilespmem:v20+s21+$0x0], $0xffff;
	[tilespmem:s17+$0xFFFFFF50] =	vst v17  }
0xb7: {  	v17 =	vor.u32 $0x100, v4;
	v13 =	vld.idx.msk [tilespmem:v13+s21+$0x0], $0xffff  }
0xb8: {  	v21 =	vld [tilespmem:s4+$0x10];
	[tilespmem:s17+$0xFFFFFF80] =	vst v18  }
0xb9: {  	v18 =	vld [tilespmem:s4+$0xFFFFFFE0];
	[tilespmem:s17+$0xFFFFFF10] =	vst v19;
	v19 =	vor.u32 $0x80, v6  }
0xba: {  	v14 =	vld.idx.msk [tilespmem:v14+s21+$0x0], $0xffff;
	[tilespmem:s17+$0xFFFFFF20] =	vst v11  }
0xbb: {  	v11 =	vld.idx.msk [tilespmem:v15+s21+$0x0], $0xffff;
	[tilespmem:s17+$0xFFFFFF70] =	vst v12  }
0xbc: {  	v12 =	vld.idx.msk [tilespmem:v17+s21+$0x0], $0xffff;
	[tilespmem:s17+$0xFFFFFFC0] =	vst v20  }
0xbd: {  	v15 =	vld [tilespmem:s4+$0xFFFFFFF0];
	[tilespmem:s17+$0xFFFFFF30] =	vst v16  }
0xbe: {  	v16 =	vld.idx.msk [tilespmem:v19+s21+$0x0], $0xffff;
	[tilespmem:s17+$0xFFFFFFD0] =	vst v13  }
0xbf: {  	v13 =	vld [tilespmem:s4+$0xFFFFFFC0];
	[tilespmem:s17+$0xFFFFFF60] =	vst v9  }
0xc0: {  	[tilespmem:s17+$0xFFFFFF90] =	vst v14;
	v8 =	vld.idx.msk [tilespmem:v8+s21+$0x0], $0xffff  }
0xc1: {  	v9 =	vld [tilespmem:s4+$0x20];
	[tilespmem:s17+$0xFFFFFFA0] =	vst v11;
	v11 =	vor.u32 $0x100, v5  }
0xc2: {  	v14 =	vld [tilespmem:s4+$0x30];
	[tilespmem:s17+$0x0] =	vst v12;
	v12 =	vor.u32 $0x100, v7  }
0xc3: {  	v19 =	vor.u32 $0x100, v6;
	v17 =	vld [tilespmem:s4+$0xFFFFFFD0]  }
0xc4: {  	v20 =	vor.u32 $0x180, v4;
	[tilespmem:s17+$0xFFFFFFB0] =	vst v16;
	v10 =	vld.idx.msk [tilespmem:v10+s21+$0x0], $0xffff  }
0xc5: {  	v22 =	vor.u32 $0x100, v2;
	v23 =	vor.u32 $0x180, v5;
	v5 =	vor.u32 $0x100, v1;
	v16 =	vld [tilespmem:s4+$0x0]  }
0xc6: {  	v24 =	vor.u32 $0x100, v0;
	v4 =	vshll.u32 v13, $0x2;
	v11 =	vld.idx.msk [tilespmem:v11+s21+$0x0], $0xffff;
	[tilespmem:s17+$0xFFFFFFF0] =	vst v8;
	v8 =	vor.u32 $0x100, v3  }
0xc7: {  	v4 =	vand.u32 $0xFFFFFE00, v4;
	v25 =	vand.u32 $0x7F, v14;
	v14 =	vshll.u32 v14, $0x2;
	v12 =	vld.idx.msk [tilespmem:v12+s21+$0x0], $0xffff  }
0xc8: {  	v6 =	vor.u32 $0x180, v6;
	v13 =	vand.u32 $0x7F, v13;
	v14 =	vand.u32 $0xFFFFFE00, v14;
	v19 =	vld.idx.msk [tilespmem:v19+s21+$0x0], $0xffff  }
0xc9: {  	v7 =	vor.u32 $0x180, v7;
	v4 =	vor.u32 v13, v4;
	v13 =	vshll.u32 v21, $0x2;
	v20 =	vld.idx.msk [tilespmem:v20+s21+$0x0], $0xffff  }
0xca: {  	v26 =	vshll.u32 v15, $0x2;
	v14 =	vor.u32 v25, v14;
	v27 =	vshll.u32 v16, $0x2;
	v22 =	vld.idx.msk [tilespmem:v22+s21+$0x0], $0xffff;
	[tilespmem:s17+$0xFFFFFFE0] =	vst v10  }
0xcb: {  	v21 =	vand.u32 $0x7F, v21;
	v10 =	vand.u32 $0xFFFFFE00, v26;
	v16 =	vand.u32 $0x7F, v16;
	v25 =	vld.idx.msk [tilespmem:v5+s21+$0x0], $0xffff  }
0xcc: {  	v13 =	vand.u32 $0xFFFFFE00, v13;
	v26 =	vor.u32 $0x180, v2;
	v5 =	vand.u32 $0xFFFFFE00, v27;
	[tilespmem:s17+$0x50] =	vst v11;
	v8 =	vld.idx.msk [tilespmem:v8+s21+$0x0], $0xffff  }
0xcd: {  	v2 =	vshll.u32 v18, $0x2;
	v11 =	vor.u32 v16, v5;
	v5 =	vor.u32 v21, v13;
	[tilespmem:s17+$0x10] =	vst v12;
	v12 =	vld.idx.msk [tilespmem:v24+s21+$0x0], $0xffff  }
0xce: {  	v2 =	vand.u32 $0xFFFFFE00, v2;
	v13 =	vor.u32 $0x180, v3;
	v3 =	vmov v14;
	v7 =	vld.idx.msk [tilespmem:v7+s21+$0x0], $0xffff;
	[tilespmem:s17+$0x30] =	vst v19  }
0xcf: {  	v14 =	vand.u32 $0x7F, v18;
	v18 =	vor.u32 $0x180, v0;
	v0 =	vmovc v11;
	v19 =	vor.u32 $0x180, v1;
	[tilespmem:s17+$0x80] =	vst v20;
	v16 =	vld.idx.msk [tilespmem:v6+s21+$0x0], $0xffff  }
0xd0: {  	v21 =	vor.u32 $0x80, v4;
	v2 =	vor.u32 v14, v2;
	v1 =	vand.u32 $0x7F, v15;
	[tilespmem:s17+$0x20] =	vst v22;
	v11 =	vld.idx.msk [tilespmem:v23+s21+$0x0], $0xffff  }
0xd1: {  	v6 =	vor.u32 v1, v10;
	v1 =	vshll.u32 v9, $0x2;
	v10 =	vld.idx.msk [tilespmem:v26+s21+$0x0], $0xffff;
	[tilespmem:s17+$0x60] =	vst v25  }
0xd2: {  	v9 =	vand.u32 $0x7F, v9;
	v1 =	vand.u32 $0xFFFFFE00, v1;
	v15 =	vld.idx.msk [tilespmem:v4+s21+$0x0], $0xffff;
	[tilespmem:s17+$0x70] =	vst v8  }
0xd3: {  	v1 =	vor.u32 v9, v1;
	[tilespmem:s17+$0x40] =	vst v12;
	v22 =	vld.idx.msk [tilespmem:v13+s21+$0x0], $0xffff  }
0xd4: {  	v8 =	vshll.u32 v17, $0x2;
	v13 =	vor.u32 $0x80, v5;
	v12 =	vld.idx.msk [tilespmem:v0+s21+$0x0], $0xffff;
	[tilespmem:s17+$0x90] =	vst v7  }
0xd5: {  	v9 =	vand.u32 $0xFFFFFE00, v8;
	v8 =	vor.u32 $0x80, v3;
	v7 =	vand.u32 $0x7F, v17;
	[tilespmem:s17+$0xB0] =	vst v16;
	v16 =	vld.idx.msk [tilespmem:v18+s21+$0x0], $0xffff  }
0xd6: {  	v7 =	vor.u32 v7, v9;
	[tilespmem:s17+$0xD0] =	vst v11;
	v23 =	vld.idx.msk [tilespmem:v19+s21+$0x0], $0xffff  }
0xd7: {  	v14 =	vor.u32 $0x80, v7;
	v11 =	vld.idx.msk [tilespmem:v2+s21+$0x0], $0xffff  }
.Ltmp3:
0xd8: {  	[tilespmem:s6+$0xFFFFFF00] =	vst v15;
	v15 =	vor.u32 $0x80, v2;
	v17 =	vld.idx.msk [tilespmem:v5+s21+$0x0], $0xffff;
	(pc) =	sbr.rel @p2 .LBB2_5-.Ltmp3, $4  }
0xd9: {  	v20 =	vor.u32 $0x80, v0;
	v9 =	vld.idx.msk [tilespmem:v1+s21+$0x0], $0xffff;
	[tilespmem:s17+$0xF0] =	vst v22  }
0xda: {  	v18 =	vld.idx.msk [tilespmem:v21+s21+$0x0], $0xffff;
	[tilespmem:s17+$0xA0] =	vst v10  }
0xdb: {  	v19 =	vld.idx.msk [tilespmem:v7+s21+$0x0], $0xffff;
	[tilespmem:s17+$0xC0] =	vst v16  }
0xdc: {  	s4 =	sadd.s32 $0x80, s4;
	v10 =	vor.u32 $0x80, v1;
	v16 =	vld.idx.msk [tilespmem:v6+s21+$0x0], $0xffff;
	[tilespmem:s17+$0xE0] =	vst v23;
	s17 =	smov.u32 s6  }
0xdd: {  	_ =	sdelay $0x2  }
0xde: {  	[tilespmem:s17+$0xFFFFFF40] =	vst v12  }
0xdf: {  	v12 =	vld.idx.msk [tilespmem:v3+s21+$0x0], $0xffff;
	[tilespmem:s17+$0xFFFFFF50] =	vst v17  }
0xe0: {  	v17 =	vld.idx.msk [tilespmem:v20+s21+$0x0], $0xffff;
	v20 =	vor.u32 $0x100, v4;
	[tilespmem:s17+$0xFFFFFF60] =	vst v9  }
0xe1: {  	v13 =	vld.idx.msk [tilespmem:v13+s21+$0x0], $0xffff;
	[tilespmem:s17+$0xFFFFFF80] =	vst v18  }
0xe2: {  	v18 =	vor.u32 $0x80, v6;
	v9 =	vld.idx.msk [tilespmem:v10+s21+$0x0], $0xffff;
	[tilespmem:s17+$0xFFFFFF10] =	vst v19  }
0xe3: {  	[tilespmem:s17+$0xFFFFFF20] =	vst v11;
	v11 =	vld.idx.msk [tilespmem:v14+s21+$0x0], $0xffff  }
0xe4: {  	[tilespmem:s17+$0xFFFFFF70] =	vst v12;
	v12 =	vld.idx.msk [tilespmem:v15+s21+$0x0], $0xffff  }
0xe5: {  	v14 =	vor.u32 $0x100, v5;
	[tilespmem:s17+$0xFFFFFFC0] =	vst v17;
	v17 =	vld.idx.msk [tilespmem:v20+s21+$0x0], $0xffff  }
0xe6: {  	v10 =	vor.u32 $0x100, v2;
	[tilespmem:s17+$0xFFFFFF30] =	vst v16;
	v8 =	vld.idx.msk [tilespmem:v8+s21+$0x0], $0xffff  }
0xe7: {  	v16 =	vor.u32 $0x100, v7;
	[tilespmem:s17+$0xFFFFFFD0] =	vst v13;
	v15 =	vld.idx.msk [tilespmem:v18+s21+$0x0], $0xffff  }
0xe8: {  	v4 =	vor.u32 $0x180, v4;
	[tilespmem:s17+$0xFFFFFF90] =	vst v11  }
0xe9: {  	v13 =	vor.u32 $0x100, v6;
	[tilespmem:s17+$0xFFFFFFA0] =	vst v12  }
0xea: {  	v11 =	vld.idx.msk [tilespmem:v14+s21+$0x0], $0xffff;
	v14 =	vor.u32 $0x100, v1;
	[tilespmem:s17+$0x0] =	vst v17  }
0xeb: {  	v12 =	vor.u32 $0x100, v3;
	[tilespmem:s17+$0xFFFFFFF0] =	vst v8;
	v8 =	vld.idx.msk [tilespmem:v10+s21+$0x0], $0xffff  }
0xec: {  	v5 =	vor.u32 $0x180, v5;
	[tilespmem:s17+$0xFFFFFFB0] =	vst v15;
	v15 =	vld.idx.msk [tilespmem:v16+s21+$0x0], $0xffff  }
0xed: {  	v16 =	vor.u32 $0x100, v0;
	v4 =	vld.idx.msk [tilespmem:v4+s21+$0x0], $0xffff  }
0xee: {  	v2 =	vor.u32 $0x180, v2;
	[tilespmem:s17+$0xFFFFFFE0] =	vst v9;
	v13 =	vld.idx.msk [tilespmem:v13+s21+$0x0], $0xffff  }
0xef: {  	v7 =	vor.u32 $0x180, v7;
	[tilespmem:s17+$0x50] =	vst v11;
	v10 =	vld.idx.msk [tilespmem:v14+s21+$0x0], $0xffff  }
0xf0: {  	v6 =	vor.u32 $0x180, v6;
	v9 =	vld.idx.msk [tilespmem:v12+s21+$0x0], $0xffff;
	[tilespmem:s17+$0x20] =	vst v8  }
0xf1: {  	v1 =	vor.u32 $0x180, v1;
	v5 =	vld.idx.msk [tilespmem:v5+s21+$0x0], $0xffff;
	[tilespmem:s17+$0x10] =	vst v15  }
0xf2: {  	v3 =	vor.u32 $0x180, v3;
	v11 =	vld.idx.msk [tilespmem:v16+s21+$0x0], $0xffff;
	[tilespmem:s17+$0x80] =	vst v4  }
0xf3: {  	v0 =	vor.u32 $0x180, v0;
	v2 =	vld.idx.msk [tilespmem:v2+s21+$0x0], $0xffff;
	[tilespmem:s17+$0x30] =	vst v13  }
0xf4: {  	v7 =	vld.idx.msk [tilespmem:v7+s21+$0x0], $0xffff;
	[tilespmem:s17+$0x60] =	vst v10  }
0xf5: {  	v4 =	vld.idx.msk [tilespmem:v6+s21+$0x0], $0xffff;
	[tilespmem:s17+$0x70] =	vst v9  }
0xf6: {  	v1 =	vld.idx.msk [tilespmem:v1+s21+$0x0], $0xffff;
	[tilespmem:s17+$0xD0] =	vst v5  }
0xf7: {  	v3 =	vld.idx.msk [tilespmem:v3+s21+$0x0], $0xffff;
	[tilespmem:s17+$0x40] =	vst v11  }
0xf8: {  	[tilespmem:s17+$0xA0] =	vst v2;
	v0 =	vld.idx.msk [tilespmem:v0+s21+$0x0], $0xffff  }
0xf9: {  	[tilespmem:s17+$0x90] =	vst v7  }
0xfa: {  	[tilespmem:s17+$0xB0] =	vst v4  }
0xfb: {  	[tilespmem:s17+$0xE0] =	vst v1  }
0xfc: {  	[tilespmem:s17+$0xF0] =	vst v3  }
0xfd: {  	s0 =	sadd.s32 s0, s12;
	[tilespmem:s17+$0xC0] =	vst v0  }
0xfe: {  	[hbm4b:s0+s18] =	stream.strided.scatter [tilespmem:s28], [sflag:$0x6], $0x2000, s19, s18, $0x38;
	[tilespmem:$0x10800] =	vst v63  }
0xff: {  	s0 =	sadd.s32 @!p1 s10, s16  }
0x100: {  	s0 =	sshll.u32 @!p1 s0, $0xA  }
0x101: {  	s2 =	simm.s32 @!p1 $0x200;
	s0 =	sand.u32 @!p1 $0x7EF800, s0  }
0x102: {  	s4 =	simm.s32 @!p1 $0x400;
	s6 =	simm.s32 @!p1 $0x2800;
	s0 =	sadd.s32 @!p1 s0, s15  }
0x103: {  	[tilespmem:s6], [sflag:$0x2] =	stream.strided.gather @!p1 [hbm4b:s0+s2], $0x2000, s4, s2, $0x38;
	[tilespmem:$0x10800] =	vst v63  }
0x104: {  	_ =	swait.ge [sflag:s29], $0x2000  }
0x105: {  	[sflag:s29] =	ssyncset.done $0x0  }
0x106: {  	s0 =	simm.s32 @!p0 $0x7;
	[sflag:s29] =	ssyncadd.s32 $0xFFFFE000  }
0x107: {  	_ =	swait.ge @!p0 [sflag:s0], $0x2000  }
0x108: {  	[sflag:s0] =	ssyncset.done @!p0 $0x0  }
0x109: {  	s17 =	simm.s32 $0x40;
	[sflag:s0] =	ssyncadd.s32 @!p0 $0xFFFFE000  }
0x10a: {  	v0 =	vld [tilespmem:s17+$0xFFFFFFC0]  }
0x10b: {  	v1 =	vld [tilespmem:s17+$0x10]  }
0x10c: {  	v3 =	vld [tilespmem:s17+$0xFFFFFFE0]  }
0x10d: {  	v2 =	vld [tilespmem:s17+$0x0];
	_ =	sdelay $0x1  }
0x10e: {  	v6 =	vld [tilespmem:s17+$0x20]  }
0x10f: {  	v7 =	vld [tilespmem:s17+$0xFFFFFFF0];
	v4 =	vshll.u32 v0, $0x2;
	v0 =	vand.u32 $0x7F, v0;
	v5 =	vshll.u32 v1, $0x2  }
0x110: {  	v1 =	vand.u32 $0x7F, v1;
	v9 =	vshll.u32 v3, $0x2;
	v4 =	vand.u32 $0xFFFFFE00, v4  }
0x111: {  	v8 =	vld [tilespmem:s17+$0xFFFFFFD0];
	v3 =	vand.u32 $0x7F, v3;
	v4 =	vor.u32 v0, v4;
	v0 =	vshll.u32 v2, $0x2  }
0x112: {  	v5 =	vand.u32 $0xFFFFFE00, v5;
	v2 =	vand.u32 $0x7F, v2;
	v0 =	vand.u32 $0xFFFFFE00, v0  }
0x113: {  	v5 =	vor.u32 v1, v5;
	v0 =	vor.u32 v2, v0;
	v2 =	vand.u32 $0xFFFFFE00, v9;
	v9 =	vld [tilespmem:s17+$0x30]  }
0x114: {  	v11 =	vand.u32 $0x7F, v7;
	v2 =	vor.u32 v3, v2;
	v3 =	vshll.u32 v6, $0x2  }
0x115: {  	v1 =	vand.u32 $0x7F, v6;
	v12 =	vor.u32 $0x80, v4;
	v3 =	vand.u32 $0xFFFFFE00, v3  }
0x116: {  	v6 =	vshll.u32 v7, $0x2;
	v10 =	vld.idx.msk [tilespmem:v4+s22+$0x0], $0xffff;
	v1 =	vor.u32 v1, v3;
	v3 =	vshll.u32 v8, $0x2  }
0x117: {  	v6 =	vand.u32 $0xFFFFFE00, v6;
	v8 =	vand.u32 $0x7F, v8;
	v3 =	vand.u32 $0xFFFFFE00, v3  }
0x118: {  	v6 =	vor.u32 v11, v6;
	v17 =	vld.idx.msk [tilespmem:v5+s22+$0x0], $0xffff;
	v7 =	vor.u32 v8, v3;
	v3 =	vshll.u32 v9, $0x2  }
0x119: {  	v13 =	vld.idx.msk [tilespmem:v0+s22+$0x0], $0xffff;
	v8 =	vand.u32 $0x7F, v9;
	v3 =	vand.u32 $0xFFFFFE00, v3  }
0x11a: {  	s17 =	simm.s32 $0xC900;
	v11 =	vld.idx.msk [tilespmem:v2+s22+$0x0], $0xffff;
	v3 =	vor.u32 v8, v3  }
0x11b: {  	v20 =	vor.u32 $0x80, v0;
	[tilespmem:s17+$0xFFFFFF00] =	vst v10;
	v9 =	vld.idx.msk [tilespmem:v1+s22+$0x0], $0xffff  }
0x11c: {  	v18 =	vld.idx.msk [tilespmem:v12+s22+$0x0], $0xffff;
	v12 =	vor.u32 $0x80, v5  }
0x11d: {  	s2 =	simm.s32 $0x0;
	v15 =	vor.u32 $0x80, v2;
	v16 =	vld.idx.msk [tilespmem:v6+s22+$0x0], $0xffff  }
0x11e: {  	s4 =	simm.s32 $0xC0;
	s6 =	simm.s32 $0xC900;
	s0 =	sor.u32 $0x10000, s5;
	v14 =	vor.u32 $0x80, v7;
	v8 =	vor.u32 $0x80, v3;
	v10 =	vor.u32 $0x80, v1;
	v19 =	vld.idx.msk [tilespmem:v7+s22+$0x0], $0xffff  }
.LBB2_7:
0x11f: {  	s2 =	sadd.s32 $0x8, s2;
	[tilespmem:s17+$0xFFFFFF40] =	vst v13;
	v13 =	vld.idx.msk [tilespmem:v3+s22+$0x0], $0xffff;
	s6 =	sadd.s32 $0x200, s6  }
0x120: {  	p2 =	slt.u32 s2, $0x78;
	v20 =	vld.idx.msk [tilespmem:v20+s22+$0x0], $0xffff;
	[tilespmem:s17+$0xFFFFFF50] =	vst v17  }
0x121: {  	v17 =	vor.u32 $0x100, v4;
	v12 =	vld.idx.msk [tilespmem:v12+s22+$0x0], $0xffff  }
0x122: {  	v21 =	vld [tilespmem:s4+$0x10];
	[tilespmem:s17+$0xFFFFFF80] =	vst v18  }
0x123: {  	v18 =	vld [tilespmem:s4+$0xFFFFFFE0];
	[tilespmem:s17+$0xFFFFFF10] =	vst v19;
	v19 =	vor.u32 $0x80, v6  }
0x124: {  	v14 =	vld.idx.msk [tilespmem:v14+s22+$0x0], $0xffff;
	[tilespmem:s17+$0xFFFFFF20] =	vst v11  }
0x125: {  	v11 =	vld.idx.msk [tilespmem:v15+s22+$0x0], $0xffff;
	[tilespmem:s17+$0xFFFFFF70] =	vst v13  }
0x126: {  	v13 =	vld.idx.msk [tilespmem:v17+s22+$0x0], $0xffff;
	[tilespmem:s17+$0xFFFFFFC0] =	vst v20  }
0x127: {  	v15 =	vld [tilespmem:s4+$0xFFFFFFF0];
	[tilespmem:s17+$0xFFFFFF30] =	vst v16  }
0x128: {  	v16 =	vld.idx.msk [tilespmem:v19+s22+$0x0], $0xffff;
	[tilespmem:s17+$0xFFFFFFD0] =	vst v12  }
0x129: {  	v12 =	vld [tilespmem:s4+$0xFFFFFFC0];
	[tilespmem:s17+$0xFFFFFF60] =	vst v9  }
0x12a: {  	[tilespmem:s17+$0xFFFFFF90] =	vst v14;
	v8 =	vld.idx.msk [tilespmem:v8+s22+$0x0], $0xffff  }
0x12b: {  	v9 =	vld [tilespmem:s4+$0x20];
	[tilespmem:s17+$0xFFFFFFA0] =	vst v11;
	v11 =	vor.u32 $0x100, v5  }
0x12c: {  	v14 =	vld [tilespmem:s4+$0x30];
	[tilespmem:s17+$0x0] =	vst v13;
	v13 =	vor.u32 $0x100, v7  }
0x12d: {  	v19 =	vor.u32 $0x100, v6;
	v17 =	vld [tilespmem:s4+$0xFFFFFFD0]  }
0x12e: {  	v20 =	vor.u32 $0x180, v4;
	[tilespmem:s17+$0xFFFFFFB0] =	vst v16;
	v10 =	vld.idx.msk [tilespmem:v10+s22+$0x0], $0xffff  }
0x12f: {  	v22 =	vor.u32 $0x100, v2;
	v23 =	vor.u32 $0x180, v5;
	v5 =	vor.u32 $0x100, v1;
	v16 =	vld [tilespmem:s4+$0x0]  }
0x130: {  	v24 =	vor.u32 $0x100, v0;
	v4 =	vshll.u32 v12, $0x2;
	v11 =	vld.idx.msk [tilespmem:v11+s22+$0x0], $0xffff;
	[tilespmem:s17+$0xFFFFFFF0] =	vst v8;
	v8 =	vor.u32 $0x100, v3  }
0x131: {  	v4 =	vand.u32 $0xFFFFFE00, v4;
	v25 =	vand.u32 $0x7F, v14;
	v14 =	vshll.u32 v14, $0x2;
	v13 =	vld.idx.msk [tilespmem:v13+s22+$0x0], $0xffff  }
0x132: {  	v6 =	vor.u32 $0x180, v6;
	v12 =	vand.u32 $0x7F, v12;
	v14 =	vand.u32 $0xFFFFFE00, v14;
	v19 =	vld.idx.msk [tilespmem:v19+s22+$0x0], $0xffff  }
0x133: {  	v7 =	vor.u32 $0x180, v7;
	v4 =	vor.u32 v12, v4;
	v12 =	vshll.u32 v21, $0x2;
	v20 =	vld.idx.msk [tilespmem:v20+s22+$0x0], $0xffff  }
0x134: {  	v26 =	vshll.u32 v15, $0x2;
	v14 =	vor.u32 v25, v14;
	v27 =	vshll.u32 v16, $0x2;
	v22 =	vld.idx.msk [tilespmem:v22+s22+$0x0], $0xffff;
	[tilespmem:s17+$0xFFFFFFE0] =	vst v10  }
0x135: {  	v21 =	vand.u32 $0x7F, v21;
	v10 =	vand.u32 $0xFFFFFE00, v26;
	v16 =	vand.u32 $0x7F, v16;
	v25 =	vld.idx.msk [tilespmem:v5+s22+$0x0], $0xffff  }
0x136: {  	v12 =	vand.u32 $0xFFFFFE00, v12;
	v26 =	vor.u32 $0x180, v2;
	v5 =	vand.u32 $0xFFFFFE00, v27;
	[tilespmem:s17+$0x50] =	vst v11;
	v8 =	vld.idx.msk [tilespmem:v8+s22+$0x0], $0xffff  }
0x137: {  	v2 =	vshll.u32 v18, $0x2;
	v11 =	vor.u32 v16, v5;
	v5 =	vor.u32 v21, v12;
	[tilespmem:s17+$0x10] =	vst v13;
	v12 =	vld.idx.msk [tilespmem:v24+s22+$0x0], $0xffff  }
0x138: {  	v2 =	vand.u32 $0xFFFFFE00, v2;
	v13 =	vor.u32 $0x180, v3;
	v3 =	vmov v14;
	v7 =	vld.idx.msk [tilespmem:v7+s22+$0x0], $0xffff;
	[tilespmem:s17+$0x30] =	vst v19  }
0x139: {  	v14 =	vand.u32 $0x7F, v18;
	v18 =	vor.u32 $0x180, v0;
	v0 =	vmovc v11;
	v19 =	vor.u32 $0x180, v1;
	[tilespmem:s17+$0x80] =	vst v20;
	v16 =	vld.idx.msk [tilespmem:v6+s22+$0x0], $0xffff  }
0x13a: {  	v21 =	vor.u32 $0x80, v4;
	v2 =	vor.u32 v14, v2;
	v1 =	vand.u32 $0x7F, v15;
	[tilespmem:s17+$0x20] =	vst v22;
	v11 =	vld.idx.msk [tilespmem:v23+s22+$0x0], $0xffff  }
0x13b: {  	v6 =	vor.u32 v1, v10;
	v1 =	vshll.u32 v9, $0x2;
	v10 =	vld.idx.msk [tilespmem:v26+s22+$0x0], $0xffff;
	[tilespmem:s17+$0x60] =	vst v25  }
0x13c: {  	v9 =	vand.u32 $0x7F, v9;
	v1 =	vand.u32 $0xFFFFFE00, v1;
	v15 =	vld.idx.msk [tilespmem:v4+s22+$0x0], $0xffff;
	[tilespmem:s17+$0x70] =	vst v8  }
0x13d: {  	v1 =	vor.u32 v9, v1;
	[tilespmem:s17+$0x40] =	vst v12;
	v22 =	vld.idx.msk [tilespmem:v13+s22+$0x0], $0xffff  }
0x13e: {  	v8 =	vshll.u32 v17, $0x2;
	v12 =	vor.u32 $0x80, v5;
	v13 =	vld.idx.msk [tilespmem:v0+s22+$0x0], $0xffff;
	[tilespmem:s17+$0x90] =	vst v7  }
0x13f: {  	v9 =	vand.u32 $0xFFFFFE00, v8;
	v8 =	vor.u32 $0x80, v3;
	v7 =	vand.u32 $0x7F, v17;
	[tilespmem:s17+$0xB0] =	vst v16;
	v16 =	vld.idx.msk [tilespmem:v18+s22+$0x0], $0xffff  }
0x140: {  	v7 =	vor.u32 v7, v9;
	[tilespmem:s17+$0xD0] =	vst v11;
	v23 =	vld.idx.msk [tilespmem:v19+s22+$0x0], $0xffff  }
0x141: {  	v14 =	vor.u32 $0x80, v7;
	v11 =	vld.idx.msk [tilespmem:v2+s22+$0x0], $0xffff  }
.Ltmp4:
0x142: {  	[tilespmem:s6+$0xFFFFFF00] =	vst v15;
	v15 =	vor.u32 $0x80, v2;
	v17 =	vld.idx.msk [tilespmem:v5+s22+$0x0], $0xffff;
	(pc) =	sbr.rel @p2 .LBB2_7-.Ltmp4, $4  }
0x143: {  	v20 =	vor.u32 $0x80, v0;
	v9 =	vld.idx.msk [tilespmem:v1+s22+$0x0], $0xffff;
	[tilespmem:s17+$0xF0] =	vst v22  }
0x144: {  	v18 =	vld.idx.msk [tilespmem:v21+s22+$0x0], $0xffff;
	[tilespmem:s17+$0xA0] =	vst v10  }
0x145: {  	v19 =	vld.idx.msk [tilespmem:v7+s22+$0x0], $0xffff;
	[tilespmem:s17+$0xC0] =	vst v16  }
0x146: {  	s4 =	sadd.s32 $0x80, s4;
	v10 =	vor.u32 $0x80, v1;
	v16 =	vld.idx.msk [tilespmem:v6+s22+$0x0], $0xffff;
	[tilespmem:s17+$0xE0] =	vst v23;
	s17 =	smov.u32 s6  }
0x147: {  	_ =	sdelay $0x2  }
0x148: {  	[tilespmem:s17+$0xFFFFFF40] =	vst v13  }
0x149: {  	v13 =	vld.idx.msk [tilespmem:v3+s22+$0x0], $0xffff;
	[tilespmem:s17+$0xFFFFFF50] =	vst v17  }
0x14a: {  	v17 =	vld.idx.msk [tilespmem:v20+s22+$0x0], $0xffff;
	v20 =	vor.u32 $0x100, v4;
	[tilespmem:s17+$0xFFFFFF60] =	vst v9  }
0x14b: {  	v12 =	vld.idx.msk [tilespmem:v12+s22+$0x0], $0xffff;
	[tilespmem:s17+$0xFFFFFF80] =	vst v18  }
0x14c: {  	v18 =	vor.u32 $0x80, v6;
	v9 =	vld.idx.msk [tilespmem:v10+s22+$0x0], $0xffff;
	[tilespmem:s17+$0xFFFFFF10] =	vst v19  }
0x14d: {  	[tilespmem:s17+$0xFFFFFF20] =	vst v11;
	v11 =	vld.idx.msk [tilespmem:v14+s22+$0x0], $0xffff  }
0x14e: {  	[tilespmem:s17+$0xFFFFFF70] =	vst v13;
	v13 =	vld.idx.msk [tilespmem:v15+s22+$0x0], $0xffff  }
0x14f: {  	v14 =	vor.u32 $0x100, v5;
	[tilespmem:s17+$0xFFFFFFC0] =	vst v17;
	v17 =	vld.idx.msk [tilespmem:v20+s22+$0x0], $0xffff  }
0x150: {  	v10 =	vor.u32 $0x100, v2;
	[tilespmem:s17+$0xFFFFFF30] =	vst v16;
	v8 =	vld.idx.msk [tilespmem:v8+s22+$0x0], $0xffff  }
0x151: {  	v16 =	vor.u32 $0x100, v7;
	[tilespmem:s17+$0xFFFFFFD0] =	vst v12;
	v15 =	vld.idx.msk [tilespmem:v18+s22+$0x0], $0xffff  }
0x152: {  	v4 =	vor.u32 $0x180, v4;
	[tilespmem:s17+$0xFFFFFF90] =	vst v11  }
0x153: {  	v12 =	vor.u32 $0x100, v6;
	[tilespmem:s17+$0xFFFFFFA0] =	vst v13  }
0x154: {  	v11 =	vld.idx.msk [tilespmem:v14+s22+$0x0], $0xffff;
	v14 =	vor.u32 $0x100, v1;
	[tilespmem:s17+$0x0] =	vst v17  }
0x155: {  	v13 =	vor.u32 $0x100, v3;
	[tilespmem:s17+$0xFFFFFFF0] =	vst v8;
	v8 =	vld.idx.msk [tilespmem:v10+s22+$0x0], $0xffff  }
0x156: {  	v5 =	vor.u32 $0x180, v5;
	[tilespmem:s17+$0xFFFFFFB0] =	vst v15;
	v15 =	vld.idx.msk [tilespmem:v16+s22+$0x0], $0xffff  }
0x157: {  	v16 =	vor.u32 $0x100, v0;
	v4 =	vld.idx.msk [tilespmem:v4+s22+$0x0], $0xffff  }
0x158: {  	v2 =	vor.u32 $0x180, v2;
	[tilespmem:s17+$0xFFFFFFE0] =	vst v9;
	v12 =	vld.idx.msk [tilespmem:v12+s22+$0x0], $0xffff  }
0x159: {  	v7 =	vor.u32 $0x180, v7;
	[tilespmem:s17+$0x50] =	vst v11;
	v10 =	vld.idx.msk [tilespmem:v14+s22+$0x0], $0xffff  }
0x15a: {  	v6 =	vor.u32 $0x180, v6;
	v9 =	vld.idx.msk [tilespmem:v13+s22+$0x0], $0xffff;
	[tilespmem:s17+$0x20] =	vst v8  }
0x15b: {  	v1 =	vor.u32 $0x180, v1;
	v5 =	vld.idx.msk [tilespmem:v5+s22+$0x0], $0xffff;
	[tilespmem:s17+$0x10] =	vst v15  }
0x15c: {  	v3 =	vor.u32 $0x180, v3;
	v11 =	vld.idx.msk [tilespmem:v16+s22+$0x0], $0xffff;
	[tilespmem:s17+$0x80] =	vst v4  }
0x15d: {  	v0 =	vor.u32 $0x180, v0;
	v2 =	vld.idx.msk [tilespmem:v2+s22+$0x0], $0xffff;
	[tilespmem:s17+$0x30] =	vst v12  }
0x15e: {  	v7 =	vld.idx.msk [tilespmem:v7+s22+$0x0], $0xffff;
	[tilespmem:s17+$0x60] =	vst v10  }
0x15f: {  	v4 =	vld.idx.msk [tilespmem:v6+s22+$0x0], $0xffff;
	[tilespmem:s17+$0x70] =	vst v9  }
0x160: {  	v1 =	vld.idx.msk [tilespmem:v1+s22+$0x0], $0xffff;
	[tilespmem:s17+$0xD0] =	vst v5  }
0x161: {  	v3 =	vld.idx.msk [tilespmem:v3+s22+$0x0], $0xffff;
	[tilespmem:s17+$0x40] =	vst v11  }
0x162: {  	[tilespmem:s17+$0xA0] =	vst v2;
	v0 =	vld.idx.msk [tilespmem:v0+s22+$0x0], $0xffff  }
0x163: {  	[tilespmem:s17+$0x90] =	vst v7  }
0x164: {  	[tilespmem:s17+$0xB0] =	vst v4  }
0x165: {  	[tilespmem:s17+$0xE0] =	vst v1  }
0x166: {  	[tilespmem:s17+$0xF0] =	vst v3  }
0x167: {  	s0 =	sadd.s32 s0, s12;
	[tilespmem:s17+$0xC0] =	vst v0  }
0x168: {  	[hbm4b:s0+s18] =	stream.strided.scatter [tilespmem:s30], [sflag:$0x7], $0x2000, s19, s18, $0x38;
	[tilespmem:$0x10800] =	vst v63  }
0x169: {  	s0 =	sadd.s32 @!p1 s11, s16  }
0x16a: {  	s0 =	sshll.u32 @!p1 s0, $0xA  }
0x16b: {  	s2 =	simm.s32 @!p1 $0x200;
	s0 =	sand.u32 @!p1 $0x7F7800, s0  }
0x16c: {  	s4 =	simm.s32 @!p1 $0x400;
	s6 =	simm.s32 @!p1 $0x4800;
	s0 =	sadd.s32 @!p1 s0, s15  }
0x16d: {  	[tilespmem:s6], [sflag:$0x3] =	stream.strided.gather @!p1 [hbm4b:s0+s2], $0x2000, s4, s2, $0x38;
	[tilespmem:$0x10800] =	vst v63  }
0x16e: {  	_ =	swait.ge [sflag:s31], $0x2000  }
0x16f: {  	[sflag:s31] =	ssyncset.done $0x0  }
0x170: {  	s0 =	simm.s32 @!p0 $0x8;
	[sflag:s31] =	ssyncadd.s32 $0xFFFFE000  }
0x171: {  	_ =	swait.ge @!p0 [sflag:s0], $0x2000  }
0x172: {  	[sflag:s0] =	ssyncset.done @!p0 $0x0  }
0x173: {  	s17 =	simm.s32 $0x40;
	[sflag:s0] =	ssyncadd.s32 @!p0 $0xFFFFE000  }
0x174: {  	v0 =	vld [tilespmem:s17+$0xFFFFFFC0]  }
0x175: {  	v1 =	vld [tilespmem:s17+$0x10]  }
0x176: {  	v3 =	vld [tilespmem:s17+$0xFFFFFFE0]  }
0x177: {  	v2 =	vld [tilespmem:s17+$0x0];
	_ =	sdelay $0x1  }
0x178: {  	v6 =	vld [tilespmem:s17+$0x20]  }
0x179: {  	v7 =	vld [tilespmem:s17+$0xFFFFFFF0];
	v4 =	vshll.u32 v0, $0x2;
	v0 =	vand.u32 $0x7F, v0;
	v5 =	vshll.u32 v1, $0x2  }
0x17a: {  	v1 =	vand.u32 $0x7F, v1;
	v9 =	vshll.u32 v3, $0x2;
	v4 =	vand.u32 $0xFFFFFE00, v4  }
0x17b: {  	v8 =	vld [tilespmem:s17+$0xFFFFFFD0];
	v3 =	vand.u32 $0x7F, v3;
	v4 =	vor.u32 v0, v4;
	v0 =	vshll.u32 v2, $0x2  }
0x17c: {  	v5 =	vand.u32 $0xFFFFFE00, v5;
	v2 =	vand.u32 $0x7F, v2;
	v0 =	vand.u32 $0xFFFFFE00, v0  }
0x17d: {  	v5 =	vor.u32 v1, v5;
	v0 =	vor.u32 v2, v0;
	v2 =	vand.u32 $0xFFFFFE00, v9;
	v9 =	vld [tilespmem:s17+$0x30]  }
0x17e: {  	v11 =	vand.u32 $0x7F, v7;
	v2 =	vor.u32 v3, v2;
	v3 =	vshll.u32 v6, $0x2  }
0x17f: {  	v1 =	vand.u32 $0x7F, v6;
	v12 =	vor.u32 $0x80, v4;
	v3 =	vand.u32 $0xFFFFFE00, v3  }
0x180: {  	v6 =	vshll.u32 v7, $0x2;
	v10 =	vld.idx.msk [tilespmem:v4+s23+$0x0], $0xffff;
	v1 =	vor.u32 v1, v3;
	v3 =	vshll.u32 v8, $0x2  }
0x181: {  	v6 =	vand.u32 $0xFFFFFE00, v6;
	v8 =	vand.u32 $0x7F, v8;
	v3 =	vand.u32 $0xFFFFFE00, v3  }
0x182: {  	v6 =	vor.u32 v11, v6;
	v17 =	vld.idx.msk [tilespmem:v5+s23+$0x0], $0xffff;
	v7 =	vor.u32 v8, v3;
	v3 =	vshll.u32 v9, $0x2  }
0x183: {  	v13 =	vld.idx.msk [tilespmem:v0+s23+$0x0], $0xffff;
	v8 =	vand.u32 $0x7F, v9;
	v3 =	vand.u32 $0xFFFFFE00, v3  }
0x184: {  	s17 =	simm.s32 $0xE900;
	v11 =	vld.idx.msk [tilespmem:v2+s23+$0x0], $0xffff;
	v3 =	vor.u32 v8, v3  }
0x185: {  	v20 =	vor.u32 $0x80, v0;
	[tilespmem:s17+$0xFFFFFF00] =	vst v10;
	v9 =	vld.idx.msk [tilespmem:v1+s23+$0x0], $0xffff  }
0x186: {  	v18 =	vld.idx.msk [tilespmem:v12+s23+$0x0], $0xffff;
	v12 =	vor.u32 $0x80, v5  }
0x187: {  	s2 =	simm.s32 $0x0;
	v15 =	vor.u32 $0x80, v2;
	v16 =	vld.idx.msk [tilespmem:v6+s23+$0x0], $0xffff  }
0x188: {  	s4 =	simm.s32 $0xC0;
	s0 =	sor.u32 $0x18000, s5;
	s5 =	simm.s32 $0xE900;
	v14 =	vor.u32 $0x80, v7;
	v8 =	vor.u32 $0x80, v3;
	v10 =	vor.u32 $0x80, v1;
	v19 =	vld.idx.msk [tilespmem:v7+s23+$0x0], $0xffff  }
.LBB2_9:
0x189: {  	s2 =	sadd.s32 $0x8, s2;
	[tilespmem:s17+$0xFFFFFF40] =	vst v13;
	v13 =	vld.idx.msk [tilespmem:v3+s23+$0x0], $0xffff;
	s5 =	sadd.s32 $0x200, s5  }
0x18a: {  	p0 =	slt.u32 s2, $0x78;
	v20 =	vld.idx.msk [tilespmem:v20+s23+$0x0], $0xffff;
	[tilespmem:s17+$0xFFFFFF50] =	vst v17  }
0x18b: {  	v17 =	vor.u32 $0x100, v4;
	v12 =	vld.idx.msk [tilespmem:v12+s23+$0x0], $0xffff  }
0x18c: {  	v21 =	vld [tilespmem:s4+$0x10];
	[tilespmem:s17+$0xFFFFFF80] =	vst v18  }
0x18d: {  	v18 =	vld [tilespmem:s4+$0xFFFFFFE0];
	[tilespmem:s17+$0xFFFFFF10] =	vst v19;
	v19 =	vor.u32 $0x80, v6  }
0x18e: {  	v14 =	vld.idx.msk [tilespmem:v14+s23+$0x0], $0xffff;
	[tilespmem:s17+$0xFFFFFF20] =	vst v11  }
0x18f: {  	v11 =	vld.idx.msk [tilespmem:v15+s23+$0x0], $0xffff;
	[tilespmem:s17+$0xFFFFFF70] =	vst v13  }
0x190: {  	v13 =	vld.idx.msk [tilespmem:v17+s23+$0x0], $0xffff;
	[tilespmem:s17+$0xFFFFFFC0] =	vst v20  }
0x191: {  	v15 =	vld [tilespmem:s4+$0xFFFFFFF0];
	[tilespmem:s17+$0xFFFFFF30] =	vst v16  }
0x192: {  	v16 =	vld.idx.msk [tilespmem:v19+s23+$0x0], $0xffff;
	[tilespmem:s17+$0xFFFFFFD0] =	vst v12  }
0x193: {  	v12 =	vld [tilespmem:s4+$0xFFFFFFC0];
	[tilespmem:s17+$0xFFFFFF60] =	vst v9  }
0x194: {  	[tilespmem:s17+$0xFFFFFF90] =	vst v14;
	v8 =	vld.idx.msk [tilespmem:v8+s23+$0x0], $0xffff  }
0x195: {  	v9 =	vld [tilespmem:s4+$0x20];
	[tilespmem:s17+$0xFFFFFFA0] =	vst v11;
	v11 =	vor.u32 $0x100, v5  }
0x196: {  	v14 =	vld [tilespmem:s4+$0x30];
	[tilespmem:s17+$0x0] =	vst v13;
	v13 =	vor.u32 $0x100, v7  }
0x197: {  	v19 =	vor.u32 $0x100, v6;
	v17 =	vld [tilespmem:s4+$0xFFFFFFD0]  }
0x198: {  	v20 =	vor.u32 $0x180, v4;
	[tilespmem:s17+$0xFFFFFFB0] =	vst v16;
	v10 =	vld.idx.msk [tilespmem:v10+s23+$0x0], $0xffff  }
0x199: {  	v22 =	vor.u32 $0x100, v2;
	v23 =	vor.u32 $0x180, v5;
	v5 =	vor.u32 $0x100, v1;
	v16 =	vld [tilespmem:s4+$0x0]  }
0x19a: {  	v24 =	vor.u32 $0x100, v0;
	v4 =	vshll.u32 v12, $0x2;
	v11 =	vld.idx.msk [tilespmem:v11+s23+$0x0], $0xffff;
	[tilespmem:s17+$0xFFFFFFF0] =	vst v8;
	v8 =	vor.u32 $0x100, v3  }
0x19b: {  	v4 =	vand.u32 $0xFFFFFE00, v4;
	v25 =	vand.u32 $0x7F, v14;
	v14 =	vshll.u32 v14, $0x2;
	v13 =	vld.idx.msk [tilespmem:v13+s23+$0x0], $0xffff  }
0x19c: {  	v6 =	vor.u32 $0x180, v6;
	v12 =	vand.u32 $0x7F, v12;
	v14 =	vand.u32 $0xFFFFFE00, v14;
	v19 =	vld.idx.msk [tilespmem:v19+s23+$0x0], $0xffff  }
0x19d: {  	v7 =	vor.u32 $0x180, v7;
	v4 =	vor.u32 v12, v4;
	v12 =	vshll.u32 v21, $0x2;
	v20 =	vld.idx.msk [tilespmem:v20+s23+$0x0], $0xffff  }
0x19e: {  	v26 =	vshll.u32 v15, $0x2;
	v14 =	vor.u32 v25, v14;
	v27 =	vshll.u32 v16, $0x2;
	v22 =	vld.idx.msk [tilespmem:v22+s23+$0x0], $0xffff;
	[tilespmem:s17+$0xFFFFFFE0] =	vst v10  }
0x19f: {  	v21 =	vand.u32 $0x7F, v21;
	v10 =	vand.u32 $0xFFFFFE00, v26;
	v16 =	vand.u32 $0x7F, v16;
	v25 =	vld.idx.msk [tilespmem:v5+s23+$0x0], $0xffff  }
0x1a0: {  	v12 =	vand.u32 $0xFFFFFE00, v12;
	v26 =	vor.u32 $0x180, v2;
	v5 =	vand.u32 $0xFFFFFE00, v27;
	[tilespmem:s17+$0x50] =	vst v11;
	v8 =	vld.idx.msk [tilespmem:v8+s23+$0x0], $0xffff  }
0x1a1: {  	v2 =	vshll.u32 v18, $0x2;
	v11 =	vor.u32 v16, v5;
	v5 =	vor.u32 v21, v12;
	[tilespmem:s17+$0x10] =	vst v13;
	v12 =	vld.idx.msk [tilespmem:v24+s23+$0x0], $0xffff  }
0x1a2: {  	v2 =	vand.u32 $0xFFFFFE00, v2;
	v13 =	vor.u32 $0x180, v3;
	v3 =	vmov v14;
	v7 =	vld.idx.msk [tilespmem:v7+s23+$0x0], $0xffff;
	[tilespmem:s17+$0x30] =	vst v19  }
0x1a3: {  	v14 =	vand.u32 $0x7F, v18;
	v18 =	vor.u32 $0x180, v0;
	v0 =	vmovc v11;
	v19 =	vor.u32 $0x180, v1;
	[tilespmem:s17+$0x80] =	vst v20;
	v16 =	vld.idx.msk [tilespmem:v6+s23+$0x0], $0xffff  }
0x1a4: {  	v21 =	vor.u32 $0x80, v4;
	v2 =	vor.u32 v14, v2;
	v1 =	vand.u32 $0x7F, v15;
	[tilespmem:s17+$0x20] =	vst v22;
	v11 =	vld.idx.msk [tilespmem:v23+s23+$0x0], $0xffff  }
0x1a5: {  	v6 =	vor.u32 v1, v10;
	v1 =	vshll.u32 v9, $0x2;
	v10 =	vld.idx.msk [tilespmem:v26+s23+$0x0], $0xffff;
	[tilespmem:s17+$0x60] =	vst v25  }
0x1a6: {  	v9 =	vand.u32 $0x7F, v9;
	v1 =	vand.u32 $0xFFFFFE00, v1;
	v15 =	vld.idx.msk [tilespmem:v4+s23+$0x0], $0xffff;
	[tilespmem:s17+$0x70] =	vst v8  }
0x1a7: {  	v1 =	vor.u32 v9, v1;
	[tilespmem:s17+$0x40] =	vst v12;
	v22 =	vld.idx.msk [tilespmem:v13+s23+$0x0], $0xffff  }
0x1a8: {  	v8 =	vshll.u32 v17, $0x2;
	v12 =	vor.u32 $0x80, v5;
	v13 =	vld.idx.msk [tilespmem:v0+s23+$0x0], $0xffff;
	[tilespmem:s17+$0x90] =	vst v7  }
0x1a9: {  	v9 =	vand.u32 $0xFFFFFE00, v8;
	v8 =	vor.u32 $0x80, v3;
	v7 =	vand.u32 $0x7F, v17;
	[tilespmem:s17+$0xB0] =	vst v16;
	v16 =	vld.idx.msk [tilespmem:v18+s23+$0x0], $0xffff  }
0x1aa: {  	v7 =	vor.u32 v7, v9;
	[tilespmem:s17+$0xD0] =	vst v11;
	v23 =	vld.idx.msk [tilespmem:v19+s23+$0x0], $0xffff  }
0x1ab: {  	v14 =	vor.u32 $0x80, v7;
	v11 =	vld.idx.msk [tilespmem:v2+s23+$0x0], $0xffff  }
.Ltmp5:
0x1ac: {  	[tilespmem:s5+$0xFFFFFF00] =	vst v15;
	v15 =	vor.u32 $0x80, v2;
	v17 =	vld.idx.msk [tilespmem:v5+s23+$0x0], $0xffff;
	(pc) =	sbr.rel @p0 .LBB2_9-.Ltmp5, $4  }
0x1ad: {  	v20 =	vor.u32 $0x80, v0;
	v9 =	vld.idx.msk [tilespmem:v1+s23+$0x0], $0xffff;
	[tilespmem:s17+$0xF0] =	vst v22  }
0x1ae: {  	v18 =	vld.idx.msk [tilespmem:v21+s23+$0x0], $0xffff;
	[tilespmem:s17+$0xA0] =	vst v10  }
0x1af: {  	v19 =	vld.idx.msk [tilespmem:v7+s23+$0x0], $0xffff;
	[tilespmem:s17+$0xC0] =	vst v16  }
0x1b0: {  	s4 =	sadd.s32 $0x80, s4;
	v10 =	vor.u32 $0x80, v1;
	v16 =	vld.idx.msk [tilespmem:v6+s23+$0x0], $0xffff;
	[tilespmem:s17+$0xE0] =	vst v23;
	s17 =	smov.u32 s5  }
0x1b1: {  	_ =	sdelay $0x1  }
0x1b2: {  	[tilespmem:s17+$0xFFFFFF40] =	vst v13  }
0x1b3: {  	[tilespmem:s17+$0xFFFFFF50] =	vst v17  }
0x1b4: {  	v34 =	vld.idx.msk [tilespmem:v3+s23+$0x0], $0xffff;
	[tilespmem:s17+$0xFFFFFF20] =	vst v11  }
0x1b5: {  	v36 =	vor.u32 $0x80, v6;
	v35 =	vld.idx.msk [tilespmem:v20+s23+$0x0], $0xffff;
	[tilespmem:s17+$0xFFFFFF60] =	vst v9  }
0x1b6: {  	v37 =	vor.u32 $0x100, v4;
	v12 =	vld.idx.msk [tilespmem:v12+s23+$0x0], $0xffff;
	[tilespmem:s17+$0xFFFFFF80] =	vst v18  }
0x1b7: {  	v39 =	vld.idx.msk [tilespmem:v15+s23+$0x0], $0xffff;
	[tilespmem:s17+$0xFFFFFF10] =	vst v19  }
0x1b8: {  	v40 =	vor.u32 $0x100, v5;
	v9 =	vld.idx.msk [tilespmem:v10+s23+$0x0], $0xffff;
	[tilespmem:s17+$0xFFFFFF30] =	vst v16  }
0x1b9: {  	v46 =	vor.u32 $0x100, v2;
	v38 =	vld.idx.msk [tilespmem:v14+s23+$0x0], $0xffff;
	[tilespmem:s17+$0xFFFFFF70] =	vst v34  }
0x1ba: {  	v51 =	vor.u32 $0x100, v0;
	v41 =	vld.idx.msk [tilespmem:v36+s23+$0x0], $0xffff;
	[tilespmem:s17+$0xFFFFFFC0] =	vst v35  }
0x1bb: {  	v49 =	vor.u32 $0x100, v1;
	v43 =	vld.idx.msk [tilespmem:v37+s23+$0x0], $0xffff;
	[tilespmem:s17+$0xFFFFFFD0] =	vst v12  }
0x1bc: {  	v42 =	vor.u32 $0x100, v7;
	v8 =	vld.idx.msk [tilespmem:v8+s23+$0x0], $0xffff;
	[tilespmem:s17+$0xFFFFFFA0] =	vst v39  }
0x1bd: {  	v44 =	vor.u32 $0x100, v6;
	v47 =	vld.idx.msk [tilespmem:v40+s23+$0x0], $0xffff;
	[tilespmem:s17+$0xFFFFFFE0] =	vst v9  }
0x1be: {  	v45 =	vor.u32 $0x180, v4;
	v54 =	vld.idx.msk [tilespmem:v46+s23+$0x0], $0xffff;
	[tilespmem:s17+$0xFFFFFF90] =	vst v38  }
0x1bf: {  	v48 =	vor.u32 $0x100, v3;
	v60 =	vld.idx.msk [tilespmem:v51+s23+$0x0], $0xffff;
	[tilespmem:s17+$0xFFFFFFB0] =	vst v41  }
0x1c0: {  	v55 =	vor.u32 $0x180, v5;
	v57 =	vld.idx.msk [tilespmem:v49+s23+$0x0], $0xffff;
	[tilespmem:s17+$0x0] =	vst v43  }
0x1c1: {  	v59 =	vor.u32 $0x180, v2;
	v50 =	vld.idx.msk [tilespmem:v42+s23+$0x0], $0xffff;
	[tilespmem:s17+$0xFFFFFFF0] =	vst v8  }
0x1c2: {  	v61 =	vor.u32 $0x180, v0;
	v12 =	vld.idx.msk [tilespmem:v44+s23+$0x0], $0xffff;
	[tilespmem:s17+$0x50] =	vst v47  }
0x1c3: {  	v63 =	vor.u32 $0x180, v1;
	v4 =	vld.idx.msk [tilespmem:v45+s23+$0x0], $0xffff;
	[tilespmem:s17+$0x20] =	vst v54  }
0x1c4: {  	v52 =	vor.u32 $0x180, v7;
	v56 =	vld.idx.msk [tilespmem:v48+s23+$0x0], $0xffff;
	[tilespmem:s17+$0x40] =	vst v60  }
0x1c5: {  	v53 =	vor.u32 $0x180, v6;
	v5 =	vld.idx.msk [tilespmem:v55+s23+$0x0], $0xffff;
	[tilespmem:s17+$0x60] =	vst v57  }
0x1c6: {  	v58 =	vor.u32 $0x180, v3;
	v2 =	vld.idx.msk [tilespmem:v59+s23+$0x0], $0xffff;
	[tilespmem:s17+$0x10] =	vst v50  }
0x1c7: {  	v0 =	vld.idx.msk [tilespmem:v61+s23+$0x0], $0xffff;
	[tilespmem:s17+$0x30] =	vst v12  }
0x1c8: {  	v1 =	vld.idx.msk [tilespmem:v63+s23+$0x0], $0xffff;
	[tilespmem:s17+$0x80] =	vst v4  }
0x1c9: {  	v7 =	vld.idx.msk [tilespmem:v52+s23+$0x0], $0xffff;
	[tilespmem:s17+$0x70] =	vst v56  }
0x1ca: {  	v62 =	vld.idx.msk [tilespmem:v53+s23+$0x0], $0xffff;
	[tilespmem:s17+$0xD0] =	vst v5  }
0x1cb: {  	v3 =	vld.idx.msk [tilespmem:v58+s23+$0x0], $0xffff;
	[tilespmem:s17+$0xA0] =	vst v2  }
0x1cc: {  	[tilespmem:s17+$0xC0] =	vst v0  }
.Ltmp6:
0x1cd: {  	[tilespmem:s17+$0xE0] =	vst v1;
	(pc) =	sbr.rel @p1 .LBB2_12-.Ltmp6, $4  }
0x1ce: {  	[tilespmem:s17+$0x90] =	vst v7  }
0x1cf: {  	[tilespmem:s17+$0xB0] =	vst v62  }
0x1d0: {  	s0 =	sadd.s32 s0, s12;
	[tilespmem:s17+$0xF0] =	vst v3  }
0x1d1: {  	[hbm4b:s0+s18] =	stream.strided.scatter [tilespmem:s1], [sflag:$0x8], $0x2000, s19, s18, $0x38;
	[tilespmem:$0x10800] =	vst v63  }
.Ltmp7:
0x1d2: {  	s0 =	sadd.s32 s13, s16;
	(pc) =	sbr.rel .LBB2_2-.Ltmp7, $4  }
0x1d3: {  	s0 =	sshll.u32 s0, $0xA  }
0x1d4: {  	s0 =	sand.u32 $0x7FF800, s0  }
0x1d5: {  	s8 =	sadd.s32 $0x1, s8;
	s0 =	sadd.s32 s0, s15  }
0x1d6: {  	[tilespmem:s23], [sflag:$0x4] =	stream.strided.gather [hbm4b:s0+s18], $0x2000, s19, s18, $0x38;
	[tilespmem:$0x10800] =	vst v63  }
.LBB2_13:
0x1d7: {  	_ =	sfence.sel $0x180000  }
0x1d8: {  	[bflag:$0x0] =	sbarrier.arrive $0xFFFF  }
0x1d9: {  	_ =	strace $0x90000047  }
0x1da: {  	s0 =	stileid.u32;
	[bflag:$0x2] =	sbarrier.arrive $0xFFFF  }
0x1db: {  	p0 =	sne.s32 s0, $0x0;
	s0 =	rddreg [dreg:$0x3]  }
0x1dc: {  	s0 =	sadd.s32 @!p0 $0x100000, s0  }
0x1dd: {  	[sflag:s0] =	ssyncadd.tile.s32 @!p0 $0x1;
	_ =	shalt  }
.Lfunc_end2:
_tile_overlayer_lowered:
.L_overlay_start_2:
0x1de: {  	(tag) =	ssettag $0x2  }
0x1df: {  	s0 =	rddreg [dreg:$0x0];
	s2 =	stileid.u32  }
0x1e0: {  	s1 =	rddreg [dreg:$0x1];
	p0 =	sne.s32 s2, $0x0  }
0x1e1: {  	s3 =	rddreg [dreg:$0x2];
	[bflag:$0x3] =	sbarrier.arrive $0xFFFF;
	s2 =	simm.s32 @!p0 $0x1C09  }
0x1e2: {  	[timem:s3], [sflag:s2] =	dma.local @!p0 [hbm:s0], s1  }
0x1e3: {  	s0 =	simm.s32 @!p0 $0x9  }
0x1e4: {  	_ =	swait.ge @!p0 [sflag:s0], s1  }
0x1e5: {  	s1 =	ssub.s32 @!p0 $0x0, s1;
	[sflag:s0] =	ssyncset.done @!p0 $0x0  }
0x1e6: {  	[sflag:s0] =	ssyncadd.s32 @!p0 s1  }
0x1e7: {  	[bflag:$0x3] =	sbarrier.arrive $0xFFFF  }
0x1e8: {  	_ =	shalt  }

</sc_bundles>
